<compile_context>
chip_gen: v7x
topology: tpu7x:2x2x1
jax: 0.10.2.dev20260603
libtpu: 0.0.44.dev20260713+nightly
codegen_flags: <defaults>
</compile_context>

<pallas_src>
import jax
import jax.numpy as jnp
from jax import lax
from jax.experimental import pallas as pl
from jax.experimental.pallas import tpu as pltpu
from jax.experimental.pallas import tpu_sc as plsc

N = 10000
E = 320000
D = 128
CW = 16
NC = 2
NS = 16
EPT = E // NS
CH = 80
NCHUNK = EPT // CH
SB = 25
NSB = NCHUNK // SB
NBUF = 6
NP = N
RPT = NP // NS


def _sc_body(xu_hbm, xb_hbm, src_hbm, dst_hbm, zf_hbm, zc_hbm, ones_hbm,
             feat_hbm, cnt_hbm,
             src_v, dst_v, rows_v, ones_v, feat_sh, cnt_sh, sem, semi):
    c = lax.axis_index("c")
    s = lax.axis_index("s")

    pltpu.sync_copy(ones_hbm, ones_v)
    pltpu.sync_copy(zf_hbm, feat_sh.at[pl.ds(s * RPT, RPT)])
    pltpu.sync_copy(zc_hbm, cnt_sh.at[pl.ds(s * RPT, RPT)])
    plsc.subcore_barrier()

    def run_dir(x_hbm):
        pltpu.async_copy(src_hbm.at[c, s, 0], src_v.at[0], semi)
        pltpu.async_copy(dst_hbm.at[c, s, 0], dst_v.at[0], semi)
        pltpu.make_async_copy(src_hbm.at[c, s, 0], src_v.at[0], semi).wait()
        pltpu.make_async_copy(dst_hbm.at[c, s, 0], dst_v.at[0], semi).wait()
        pltpu.async_copy(src_hbm.at[c, s, 1], src_v.at[1], semi)
        pltpu.async_copy(dst_hbm.at[c, s, 1], dst_v.at[1], semi)
        for i in range(NBUF - 1):
            pltpu.async_copy(x_hbm.at[src_v.at[0, i]], rows_v.at[i], sem)

        def chunk(j, _):
            sb = lax.div(j, SB)
            off = lax.rem(j, SB)
            p = lax.rem(sb, 2)
            b = lax.rem(j, NBUF)

            pltpu.make_async_copy(x_hbm.at[src_v.at[p, off]], rows_v.at[b],
                                  sem).wait()

            @pl.when((off == 0) & (j > 0) & (sb + 1 < NSB))
            def _():
                pltpu.async_copy(src_hbm.at[c, s, sb + 1],
                                 src_v.at[1 - p], semi)
                pltpu.async_copy(dst_hbm.at[c, s, sb + 1],
                                 dst_v.at[1 - p], semi)

            t = j + NBUF - 1

            @pl.when(t < NCHUNK)
            def _():
                sbt = lax.div(t, SB)
                offt = lax.rem(t, SB)
                pt = lax.rem(sbt, 2)

                @pl.when(offt == 0)
                def _():
                    pltpu.make_async_copy(src_hbm.at[c, s, sbt],
                                          src_v.at[pt], semi).wait()
                    pltpu.make_async_copy(dst_hbm.at[c, s, sbt],
                                          dst_v.at[pt], semi).wait()

                pltpu.async_copy(x_hbm.at[src_v.at[pt, offt]],
                                 rows_v.at[lax.rem(t, NBUF)], sem)

            pltpu.sync_copy(rows_v.at[b], feat_sh.at[dst_v.at[p, off]],
                            add=True)
            pltpu.sync_copy(ones_v, cnt_sh.at[dst_v.at[p, off]], add=True)
            return ()

        lax.fori_loop(0, NCHUNK, chunk, (), unroll=False)

    @pl.when(c == 0)
    def _():
        run_dir(xu_hbm)

    @pl.when(c == 1)
    def _():
        run_dir(xb_hbm)

    plsc.subcore_barrier()
    pltpu.sync_copy(feat_sh.at[pl.ds(s * RPT, RPT)],
                    feat_hbm.at[c, pl.ds(s * RPT, RPT)])
    pltpu.sync_copy(cnt_sh.at[pl.ds(s * RPT, RPT)],
                    cnt_hbm.at[c, pl.ds(s * RPT, RPT)])


_sc_call = pl.kernel(
    _sc_body,
    out_type=(jax.ShapeDtypeStruct((NC, NP, D), jnp.bfloat16),
              jax.ShapeDtypeStruct((NC, NP, CW), jnp.float32)),
    mesh=plsc.VectorSubcoreMesh(core_axis_name="c", subcore_axis_name="s"),
    scratch_types=[
        pltpu.VMEM((2, SB, CH), jnp.int32),
        pltpu.VMEM((2, SB, CH), jnp.int32),
        pltpu.VMEM((NBUF, CH, D), jnp.bfloat16),
        pltpu.VMEM((CH, CW), jnp.float32),
        pltpu.VMEM_SHARED((NP, D), jnp.bfloat16),
        pltpu.VMEM_SHARED((NP, CW), jnp.float32),
        pltpu.SemaphoreType.DMA,
        pltpu.SemaphoreType.DMA,
    ],
    compiler_params=pltpu.CompilerParams(use_tc_tiling_on_sc=False),
)


_RB = 2000


def _tc_body(sums_ref, cnt_ref, x_ref, wl_ref, wr_ref, b_ref, o_ref):
    cnt = jnp.max(cnt_ref[0], axis=1, keepdims=True)
    mean = sums_ref[0].astype(jnp.float32) / jnp.maximum(cnt, 1.0)
    r = (jnp.dot(mean, wl_ref[...], preferred_element_type=jnp.float32)
         + b_ref[...]
         + jnp.dot(x_ref[...], wr_ref[...], preferred_element_type=jnp.float32))
    o_ref[...] = jnp.maximum(r, 0.0)


def _make_tc_call(d):
    return pl.pallas_call(
        _tc_body,
        grid=(N // _RB,),
        in_specs=[
            pl.BlockSpec((1, _RB, D), lambda i: (d, i, 0)),
            pl.BlockSpec((1, _RB, CW), lambda i: (d, i, 0)),
            pl.BlockSpec((_RB, D), lambda i: (i, 0)),
            pl.BlockSpec((D, D), lambda i: (0, 0)),
            pl.BlockSpec((D, D), lambda i: (0, 0)),
            pl.BlockSpec((1, D), lambda i: (0, 0)),
        ],
        out_specs=pl.BlockSpec((_RB, D), lambda i: (i, 0)),
        out_shape=jax.ShapeDtypeStruct((N, D), jnp.float32),
    )


_tc_calls = (_make_tc_call(0), _make_tc_call(1))


def kernel(x_user, x_book, edge_index_user_to_book, edge_index_book_to_user,
           W_l, b_l, W_r):
    ei_ub = edge_index_user_to_book.astype(jnp.int32)
    ei_bu = edge_index_book_to_user.astype(jnp.int32)

    src = jnp.stack([ei_ub[0], ei_bu[0]]).reshape(NC, NS, NSB, SB, CH)
    dst = jnp.stack([ei_ub[1], ei_bu[1]]).reshape(NC, NS, NSB, SB, CH)
    zf = jnp.zeros((RPT, D), jnp.bfloat16)
    zc = jnp.zeros((RPT, CW), jnp.float32)
    ones = jnp.ones((CH, CW), jnp.float32)

    xu16 = x_user.astype(jnp.bfloat16)
    xb16 = x_book.astype(jnp.bfloat16)
    sums, cnt = _sc_call(xu16, xb16, src, dst, zf, zc, ones)

    WlT, WrT, b2 = W_l.T, W_r.T, b_l.reshape(1, D)
    out_book = _tc_calls[0](sums, cnt, x_book, WlT, WrT, b2)
    out_user = _tc_calls[1](sums, cnt, x_user, WlT, WrT, b2)
    return (out_book, out_user)

# --- scband reference (transcript-rebuilt; emitter-appended) ---
"""Pipeline reference for scband-conv-layer-6949257085117 (READ-ONLY COPY).

The authoritative reference and input builder live on the scoring server;
editing this copy changes nothing except your own understanding.
"""

import jax, jax.numpy as jnp
import numpy as np

N_USER = 10000
N_BOOK = 10000
E = 320000
D = 128


def setup_inputs(seed: int = 0) -> dict:
    key = jax.random.key(seed)
    ks = jax.random.split(key, 9)
    x_user = jax.random.normal(ks[0], (N_USER, D), dtype=jnp.float32)
    x_book = jax.random.normal(ks[1], (N_BOOK, D), dtype=jnp.float32)
    edge_index_user_to_book = jnp.stack([
        jax.random.randint(ks[2], (E,), 0, N_USER, dtype=jnp.int32),
        jax.random.randint(ks[3], (E,), 0, N_BOOK, dtype=jnp.int32),
    ]).astype(jnp.int64)
    edge_index_book_to_user = jnp.stack([
        jax.random.randint(ks[4], (E,), 0, N_BOOK, dtype=jnp.int32),
        jax.random.randint(ks[5], (E,), 0, N_USER, dtype=jnp.int32),
    ]).astype(jnp.int64)
    scale = 1.0 / np.sqrt(D)
    # SAGEConv params: lin_l (applied to aggregated messages, has bias), lin_r (root, no bias).
    # The same SAGEConv instance is shared across both hetero edge types.
    W_l = jax.random.uniform(ks[6], (D, D), minval=-scale, maxval=scale, dtype=jnp.float32)
    b_l = jnp.zeros((D,), dtype=jnp.float32)
    W_r = jax.random.uniform(ks[7], (D, D), minval=-scale, maxval=scale, dtype=jnp.float32)
    return {
        "x_user": x_user,
        "x_book": x_book,
        "edge_index_user_to_book": edge_index_user_to_book,
        "edge_index_book_to_user": edge_index_book_to_user,
        "W_l": W_l,
        "b_l": b_l,
        "W_r": W_r,
    }


def reference(x_user, x_book, edge_index_user_to_book, edge_index_book_to_user, W_l, b_l, W_r):
    def sage(x_src, x_dst, ei):
        src = ei[0]
        dst = ei[1]
        msgs = jnp.take(x_src, src, axis=0)  # gather [E, D]
        summed = jax.ops.segment_sum(msgs, dst, num_segments=x_dst.shape[0])
        cnt = jax.ops.segment_sum(jnp.ones((ei.shape[1],), jnp.float32), dst, num_segments=x_dst.shape[0])
        mean = summed / jnp.clip(cnt, 1.0, None)[:, None]
        # out = lin_l(mean_agg) + lin_r(x_dst)
        return mean @ W_l.T + b_l + x_dst @ W_r.T

    # HeteroConv aggr='sum': each dst type receives from exactly one edge type here.
    out_book = sage(x_user, x_book, edge_index_user_to_book)
    out_user = sage(x_book, x_user, edge_index_book_to_user)
    # ReLU activation; dropout p=0.0 is identity.
    out_book = jnp.maximum(out_book, 0.0)
    out_user = jnp.maximum(out_user, 0.0)
    return (out_book, out_user)

if __name__ == "__main__":
    import jax
    _d = setup_inputs()
    print(jax.jit(kernel)(*tuple(_d.values())))

</pallas_src>

<mosaic_0001>
#map = affine_map<(d0, d1) -> (0, 0)>
#map1 = affine_map<(d0, d1) -> (0, 0, 0, 0, 0)>
#map2 = affine_map<(d0, d1) -> (0, 0, 0)>
module attributes {stable_mosaic.version = 14 : i64} {
  func.func @_sc_body(%arg0: i32, %arg1: i32, %arg2: memref<10000x128xbf16, #tpu.memory_space<hbm>>, %arg3: memref<10000x128xbf16, #tpu.memory_space<hbm>>, %arg4: memref<2x16x10x25x80xi32, #tpu.memory_space<hbm>>, %arg5: memref<2x16x10x25x80xi32, #tpu.memory_space<hbm>>, %arg6: memref<625x128xbf16, #tpu.memory_space<hbm>>, %arg7: memref<625x16xf32, #tpu.memory_space<hbm>>, %arg8: memref<80x16xf32, #tpu.memory_space<hbm>>, %arg9: memref<2x10000x128xbf16, #tpu.memory_space<hbm>>, %arg10: memref<2x10000x16xf32, #tpu.memory_space<hbm>>, %arg11: memref<2x25x80xi32, #tpu.memory_space<vmem>>, %arg12: memref<2x25x80xi32, #tpu.memory_space<vmem>>, %arg13: memref<6x80x128xbf16, #tpu.memory_space<vmem>>, %arg14: memref<80x16xf32, #tpu.memory_space<vmem>>, %arg15: memref<10000x128xbf16, #tpu.memory_space<vmem_shared>>, %arg16: memref<10000x16xf32, #tpu.memory_space<vmem_shared>>, %arg17: memref<!tpu.dma_semaphore, #tpu.memory_space<semaphore_mem>>, %arg18: memref<!tpu.dma_semaphore, #tpu.memory_space<semaphore_mem>>) attributes {dimension_semantics = [#tpu.dimension_semantics<core_parallel>, #tpu.dimension_semantics<subcore_parallel>], iteration_bounds = array<i64: 2, 16>, scalar_prefetch = 0 : i64, scratch_operands = 8 : i64, tpu.core_type = #tpu.core_type<sc_vector_subcore>, window_params = [{transform_indices = #map}, {transform_indices = #map}, {transform_indices = #map1}, {transform_indices = #map1}, {transform_indices = #map}, {transform_indices = #map}, {transform_indices = #map}, {transform_indices = #map2}, {transform_indices = #map2}]} {
    "tpu.region"() ({
      %run_scoped3A = tpu.sem_alloc : memref<!tpu.dma_semaphore, #tpu.memory_space<semaphore_mem>>
      tpu.enqueue_dma source(%arg8 : memref<80x16xf32, #tpu.memory_space<hbm>>) target(%arg14 : memref<80x16xf32, #tpu.memory_space<vmem>>) target_semaphore(%run_scoped3A : memref<!tpu.dma_semaphore, #tpu.memory_space<semaphore_mem>>)
      tpu.wait_dma2 semaphore(%run_scoped3A : memref<!tpu.dma_semaphore, #tpu.memory_space<semaphore_mem>>) src(%arg8 : memref<80x16xf32, #tpu.memory_space<hbm>>) dst(%arg14 : memref<80x16xf32, #tpu.memory_space<vmem>>)
      tpu.yield
    }) : () -> ()
    %mul3A = arith.constant 625 : i32
    %mul3A_0 = arith.muli %arg1, %mul3A : i32
    "tpu.region"() ({
      %run_scoped3A = tpu.sem_alloc : memref<!tpu.dma_semaphore, #tpu.memory_space<semaphore_mem>>
      %dma_start3A = arith.constant 0 : i32
      %dma_start3A_19 = tpu.memref_slice %arg15[%mul3A_0, %dma_start3A] : memref<10000x128xbf16, #tpu.memory_space<vmem_shared>> -> memref<625x128xbf16, #tpu.memory_space<vmem_shared>>
      tpu.enqueue_dma source(%arg6 : memref<625x128xbf16, #tpu.memory_space<hbm>>) target(%dma_start3A_19 : memref<625x128xbf16, #tpu.memory_space<vmem_shared>>) target_semaphore(%run_scoped3A : memref<!tpu.dma_semaphore, #tpu.memory_space<semaphore_mem>>)
      %dma_wait3A = arith.constant 0 : i32
      %dma_wait3A_20 = tpu.memref_slice %arg15[%mul3A_0, %dma_wait3A] : memref<10000x128xbf16, #tpu.memory_space<vmem_shared>> -> memref<625x128xbf16, #tpu.memory_space<vmem_shared>>
      tpu.wait_dma2 semaphore(%run_scoped3A : memref<!tpu.dma_semaphore, #tpu.memory_space<semaphore_mem>>) src(%arg6 : memref<625x128xbf16, #tpu.memory_space<hbm>>) dst(%dma_wait3A_20 : memref<625x128xbf16, #tpu.memory_space<vmem_shared>>)
      tpu.yield
    }) : () -> ()
    %mul3A_1 = arith.constant 625 : i32
    %mul3A_2 = arith.muli %arg1, %mul3A_1 : i32
    "tpu.region"() ({
      %run_scoped3A = tpu.sem_alloc : memref<!tpu.dma_semaphore, #tpu.memory_space<semaphore_mem>>
      %dma_start3A = arith.constant 0 : i32
      %dma_start3A_19 = tpu.memref_slice %arg16[%mul3A_2, %dma_start3A] : memref<10000x16xf32, #tpu.memory_space<vmem_shared>> -> memref<625x16xf32, #tpu.memory_space<vmem_shared>>
      tpu.enqueue_dma source(%arg7 : memref<625x16xf32, #tpu.memory_space<hbm>>) target(%dma_start3A_19 : memref<625x16xf32, #tpu.memory_space<vmem_shared>>) target_semaphore(%run_scoped3A : memref<!tpu.dma_semaphore, #tpu.memory_space<semaphore_mem>>)
      %dma_wait3A = arith.constant 0 : i32
      %dma_wait3A_20 = tpu.memref_slice %arg16[%mul3A_2, %dma_wait3A] : memref<10000x16xf32, #tpu.memory_space<vmem_shared>> -> memref<625x16xf32, #tpu.memory_space<vmem_shared>>
      tpu.wait_dma2 semaphore(%run_scoped3A : memref<!tpu.dma_semaphore, #tpu.memory_space<semaphore_mem>>) src(%arg7 : memref<625x16xf32, #tpu.memory_space<hbm>>) dst(%dma_wait3A_20 : memref<625x16xf32, #tpu.memory_space<vmem_shared>>)
      tpu.yield
    }) : () -> ()
    %barrier3A = arith.constant 0 : index
    tpu.barrier barrier_id(%barrier3A)
    %eq3A = arith.constant 0 : i32
    %eq3A_3 = arith.cmpi eq, %arg0, %eq3A : i32
    %convert_element_type3A = arith.extui %eq3A_3 : i1 to i32
    %cond3A = arith.constant 0 : i32
    %cond3A_4 = arith.cmpi ne, %convert_element_type3A, %cond3A : i32
    scf.if %cond3A_4 {
      %dma_start3A = arith.constant 0 : i32
      %dma_start3A_19 = arith.constant 0 : i32
      %dma_start3A_20 = arith.constant 0 : i32
      %dma_start3A_21 = arith.constant 0 : i32
      %dma_start3A_22 = tpu.memref_slice %arg11[%dma_start3A_19, %dma_start3A_20, %dma_start3A_21] : memref<2x25x80xi32, #tpu.memory_space<vmem>> -> memref<1x25x80xi32, #tpu.memory_space<vmem>>
      %dma_start3A_23 = tpu.memref_squeeze %dma_start3A_22 : memref<1x25x80xi32, #tpu.memory_space<vmem>> -> memref<25x80xi32, #tpu.memory_space<vmem>>
      %dma_start3A_24 = arith.constant 0 : i32
      %dma_start3A_25 = arith.constant 0 : i32
      %dma_start3A_26 = tpu.memref_slice %arg4[%arg0, %arg1, %dma_start3A, %dma_start3A_24, %dma_start3A_25] : memref<2x16x10x25x80xi32, #tpu.memory_space<hbm>> -> memref<1x1x1x25x80xi32, #tpu.memory_space<hbm>>
      %dma_start3A_27 = tpu.memref_squeeze %dma_start3A_26 : memref<1x1x1x25x80xi32, #tpu.memory_space<hbm>> -> memref<25x80xi32, #tpu.memory_space<hbm>>
      %dma_start3A_28 = arith.constant 0 : i32
      %dma_start3A_29 = arith.constant 0 : i32
      %dma_start3A_30 = tpu.memref_slice %arg11[%dma_start3A_19, %dma_start3A_28, %dma_start3A_29] : memref<2x25x80xi32, #tpu.memory_space<vmem>> -> memref<1x25x80xi32, #tpu.memory_space<vmem>>
      %dma_start3A_31 = tpu.memref_squeeze %dma_start3A_30 : memref<1x25x80xi32, #tpu.memory_space<vmem>> -> memref<25x80xi32, #tpu.memory_space<vmem>>
      %dma_start3A_32 = arith.constant 0 : i32
      %dma_start3A_33 = arith.constant 0 : i32
      %dma_start3A_34 = tpu.memref_slice %arg4[%arg0, %arg1, %dma_start3A, %dma_start3A_32, %dma_start3A_33] : memref<2x16x10x25x80xi32, #tpu.memory_space<hbm>> -> memref<1x1x1x25x80xi32, #tpu.memory_space<hbm>>
      %dma_start3A_35 = tpu.memref_squeeze %dma_start3A_34 : memref<1x1x1x25x80xi32, #tpu.memory_space<hbm>> -> memref<25x80xi32, #tpu.memory_space<hbm>>
      tpu.enqueue_dma source(%dma_start3A_35 : memref<25x80xi32, #tpu.memory_space<hbm>>) target(%dma_start3A_31 : memref<25x80xi32, #tpu.memory_space<vmem>>) target_semaphore(%arg18 : memref<!tpu.dma_semaphore, #tpu.memory_space<semaphore_mem>>)
      %dma_start3A_36 = arith.constant 0 : i32
      %dma_start3A_37 = arith.constant 0 : i32
      %dma_start3A_38 = arith.constant 0 : i32
      %dma_start3A_39 = arith.constant 0 : i32
      %dma_start3A_40 = tpu.memref_slice %arg12[%dma_start3A_37, %dma_start3A_38, %dma_start3A_39] : memref<2x25x80xi32, #tpu.memory_space<vmem>> -> memref<1x25x80xi32, #tpu.memory_space<vmem>>
      %dma_start3A_41 = tpu.memref_squeeze %dma_start3A_40 : memref<1x25x80xi32, #tpu.memory_space<vmem>> -> memref<25x80xi32, #tpu.memory_space<vmem>>
      %dma_start3A_42 = arith.constant 0 : i32
      %dma_start3A_43 = arith.constant 0 : i32
      %dma_start3A_44 = tpu.memref_slice %arg5[%arg0, %arg1, %dma_start3A_36, %dma_start3A_42, %dma_start3A_43] : memref<2x16x10x25x80xi32, #tpu.memory_space<hbm>> -> memref<1x1x1x25x80xi32, #tpu.memory_space<hbm>>
      %dma_start3A_45 = tpu.memref_squeeze %dma_start3A_44 : memref<1x1x1x25x80xi32, #tpu.memory_space<hbm>> -> memref<25x80xi32, #tpu.memory_space<hbm>>
      %dma_start3A_46 = arith.constant 0 : i32
      %dma_start3A_47 = arith.constant 0 : i32
      %dma_start3A_48 = tpu.memref_slice %arg12[%dma_start3A_37, %dma_start3A_46, %dma_start3A_47] : memref<2x25x80xi32, #tpu.memory_space<vmem>> -> memref<1x25x80xi32, #tpu.memory_space<vmem>>
      %dma_start3A_49 = tpu.memref_squeeze %dma_start3A_48 : memref<1x25x80xi32, #tpu.memory_space<vmem>> -> memref<25x80xi32, #tpu.memory_space<vmem>>
      %dma_start3A_50 = arith.constant 0 : i32
      %dma_start3A_51 = arith.constant 0 : i32
      %dma_start3A_52 = tpu.memref_slice %arg5[%arg0, %arg1, %dma_start3A_36, %dma_start3A_50, %dma_start3A_51] : memref<2x16x10x25x80xi32, #tpu.memory_space<hbm>> -> memref<1x1x1x25x80xi32, #tpu.memory_space<hbm>>
      %dma_start3A_53 = tpu.memref_squeeze %dma_start3A_52 : memref<1x1x1x25x80xi32, #tpu.memory_space<hbm>> -> memref<25x80xi32, #tpu.memory_space<hbm>>
      tpu.enqueue_dma source(%dma_start3A_53 : memref<25x80xi32, #tpu.memory_space<hbm>>) target(%dma_start3A_49 : memref<25x80xi32, #tpu.memory_space<vmem>>) target_semaphore(%arg18 : memref<!tpu.dma_semaphore, #tpu.memory_space<semaphore_mem>>)
      %dma_wait3A = arith.constant 0 : i32
      %dma_wait3A_54 = arith.constant 0 : i32
      %dma_wait3A_55 = arith.constant 0 : i32
      %dma_wait3A_56 = arith.constant 0 : i32
      %dma_wait3A_57 = tpu.memref_slice %arg11[%dma_wait3A_54, %dma_wait3A_55, %dma_wait3A_56] : memref<2x25x80xi32, #tpu.memory_space<vmem>> -> memref<1x25x80xi32, #tpu.memory_space<vmem>>
      %dma_wait3A_58 = tpu.memref_squeeze %dma_wait3A_57 : memref<1x25x80xi32, #tpu.memory_space<vmem>> -> memref<25x80xi32, #tpu.memory_space<vmem>>
      %dma_wait3A_59 = arith.constant 0 : i32
      %dma_wait3A_60 = arith.constant 0 : i32
      %dma_wait3A_61 = tpu.memref_slice %arg4[%arg0, %arg1, %dma_wait3A, %dma_wait3A_59, %dma_wait3A_60] : memref<2x16x10x25x80xi32, #tpu.memory_space<hbm>> -> memref<1x1x1x25x80xi32, #tpu.memory_space<hbm>>
      %dma_wait3A_62 = tpu.memref_squeeze %dma_wait3A_61 : memref<1x1x1x25x80xi32, #tpu.memory_space<hbm>> -> memref<25x80xi32, #tpu.memory_space<hbm>>
      %dma_wait3A_63 = arith.constant 0 : i32
      %dma_wait3A_64 = arith.constant 0 : i32
      %dma_wait3A_65 = tpu.memref_slice %arg11[%dma_wait3A_54, %dma_wait3A_63, %dma_wait3A_64] : memref<2x25x80xi32, #tpu.memory_space<vmem>> -> memref<1x25x80xi32, #tpu.memory_space<vmem>>
      %dma_wait3A_66 = tpu.memref_squeeze %dma_wait3A_65 : memref<1x25x80xi32, #tpu.memory_space<vmem>> -> memref<25x80xi32, #tpu.memory_space<vmem>>
      %dma_wait3A_67 = arith.constant 0 : i32
      %dma_wait3A_68 = arith.constant 0 : i32
      %dma_wait3A_69 = tpu.memref_slice %arg4[%arg0, %arg1, %dma_wait3A, %dma_wait3A_67, %dma_wait3A_68] : memref<2x16x10x25x80xi32, #tpu.memory_space<hbm>> -> memref<1x1x1x25x80xi32, #tpu.memory_space<hbm>>
      %dma_wait3A_70 = tpu.memref_squeeze %dma_wait3A_69 : memref<1x1x1x25x80xi32, #tpu.memory_space<hbm>> -> memref<25x80xi32, #tpu.memory_space<hbm>>
      tpu.wait_dma2 semaphore(%arg18 : memref<!tpu.dma_semaphore, #tpu.memory_space<semaphore_mem>>) src(%dma_wait3A_70 : memref<25x80xi32, #tpu.memory_space<hbm>>) dst(%dma_wait3A_66 : memref<25x80xi32, #tpu.memory_space<vmem>>)
      %dma_wait3A_71 = arith.constant 0 : i32
      %dma_wait3A_72 = arith.constant 0 : i32
      %dma_wait3A_73 = arith.constant 0 : i32
      %dma_wait3A_74 = arith.constant 0 : i32
      %dma_wait3A_75 = tpu.memref_slice %arg12[%dma_wait3A_72, %dma_wait3A_73, %dma_wait3A_74] : memref<2x25x80xi32, #tpu.memory_space<vmem>> -> memref<1x25x80xi32, #tpu.memory_space<vmem>>
      %dma_wait3A_76 = tpu.memref_squeeze %dma_wait3A_75 : memref<1x25x80xi32, #tpu.memory_space<vmem>> -> memref<25x80xi32, #tpu.memory_space<vmem>>
      %dma_wait3A_77 = arith.constant 0 : i32
      %dma_wait3A_78 = arith.constant 0 : i32
      %dma_wait3A_79 = tpu.memref_slice %arg5[%arg0, %arg1, %dma_wait3A_71, %dma_wait3A_77, %dma_wait3A_78] : memref<2x16x10x25x80xi32, #tpu.memory_space<hbm>> -> memref<1x1x1x25x80xi32, #tpu.memory_space<hbm>>
      %dma_wait3A_80 = tpu.memref_squeeze %dma_wait3A_79 : memref<1x1x1x25x80xi32, #tpu.memory_space<hbm>> -> memref<25x80xi32, #tpu.memory_space<hbm>>
      %dma_wait3A_81 = arith.constant 0 : i32
      %dma_wait3A_82 = arith.constant 0 : i32
      %dma_wait3A_83 = tpu.memref_slice %arg12[%dma_wait3A_72, %dma_wait3A_81, %dma_wait3A_82] : memref<2x25x80xi32, #tpu.memory_space<vmem>> -> memref<1x25x80xi32, #tpu.memory_space<vmem>>
      %dma_wait3A_84 = tpu.memref_squeeze %dma_wait3A_83 : memref<1x25x80xi32, #tpu.memory_space<vmem>> -> memref<25x80xi32, #tpu.memory_space<vmem>>
      %dma_wait3A_85 = arith.constant 0 : i32
      %dma_wait3A_86 = arith.constant 0 : i32
      %dma_wait3A_87 = tpu.memref_slice %arg5[%arg0, %arg1, %dma_wait3A_71, %dma_wait3A_85, %dma_wait3A_86] : memref<2x16x10x25x80xi32, #tpu.memory_space<hbm>> -> memref<1x1x1x25x80xi32, #tpu.memory_space<hbm>>
      %dma_wait3A_88 = tpu.memref_squeeze %dma_wait3A_87 : memref<1x1x1x25x80xi32, #tpu.memory_space<hbm>> -> memref<25x80xi32, #tpu.memory_space<hbm>>
      tpu.wait_dma2 semaphore(%arg18 : memref<!tpu.dma_semaphore, #tpu.memory_space<semaphore_mem>>) src(%dma_wait3A_88 : memref<25x80xi32, #tpu.memory_space<hbm>>) dst(%dma_wait3A_84 : memref<25x80xi32, #tpu.memory_space<vmem>>)
      %dma_start3A_89 = arith.constant 1 : i32
      %dma_start3A_90 = arith.constant 1 : i32
      %dma_start3A_91 = arith.constant 0 : i32
      %dma_start3A_92 = arith.constant 0 : i32
      %dma_start3A_93 = tpu.memref_slice %arg11[%dma_start3A_90, %dma_start3A_91, %dma_start3A_92] : memref<2x25x80xi32, #tpu.memory_space<vmem>> -> memref<1x25x80xi32, #tpu.memory_space<vmem>>
      %dma_start3A_94 = tpu.memref_squeeze %dma_start3A_93 : memref<1x25x80xi32, #tpu.memory_space<vmem>> -> memref<25x80xi32, #tpu.memory_space<vmem>>
      %dma_start3A_95 = arith.constant 0 : i32
      %dma_start3A_96 = arith.constant 0 : i32
      %dma_start3A_97 = tpu.memref_slice %arg4[%arg0, %arg1, %dma_start3A_89, %dma_start3A_95, %dma_start3A_96] : memref<2x16x10x25x80xi32, #tpu.memory_space<hbm>> -> memref<1x1x1x25x80xi32, #tpu.memory_space<hbm>>
      %dma_start3A_98 = tpu.memref_squeeze %dma_start3A_97 : memref<1x1x1x25x80xi32, #tpu.memory_space<hbm>> -> memref<25x80xi32, #tpu.memory_space<hbm>>
      %dma_start3A_99 = arith.constant 0 : i32
      %dma_start3A_100 = arith.constant 0 : i32
      %dma_start3A_101 = tpu.memref_slice %arg11[%dma_start3A_90, %dma_start3A_99, %dma_start3A_100] : memref<2x25x80xi32, #tpu.memory_space<vmem>> -> memref<1x25x80xi32, #tpu.memory_space<vmem>>
      %dma_start3A_102 = tpu.memref_squeeze %dma_start3A_101 : memref<1x25x80xi32, #tpu.memory_space<vmem>> -> memref<25x80xi32, #tpu.memory_space<vmem>>
      %dma_start3A_103 = arith.constant 0 : i32
      %dma_start3A_104 = arith.constant 0 : i32
      %dma_start3A_105 = tpu.memref_slice %arg4[%arg0, %arg1, %dma_start3A_89, %dma_start3A_103, %dma_start3A_104] : memref<2x16x10x25x80xi32, #tpu.memory_space<hbm>> -> memref<1x1x1x25x80xi32, #tpu.memory_space<hbm>>
      %dma_start3A_106 = tpu.memref_squeeze %dma_start3A_105 : memref<1x1x1x25x80xi32, #tpu.memory_space<hbm>> -> memref<25x80xi32, #tpu.memory_space<hbm>>
      tpu.enqueue_dma source(%dma_start3A_106 : memref<25x80xi32, #tpu.memory_space<hbm>>) target(%dma_start3A_102 : memref<25x80xi32, #tpu.memory_space<vmem>>) target_semaphore(%arg18 : memref<!tpu.dma_semaphore, #tpu.memory_space<semaphore_mem>>)
      %dma_start3A_107 = arith.constant 1 : i32
      %dma_start3A_108 = arith.constant 1 : i32
      %dma_start3A_109 = arith.constant 0 : i32
      %dma_start3A_110 = arith.constant 0 : i32
      %dma_start3A_111 = tpu.memref_slice %arg12[%dma_start3A_108, %dma_start3A_109, %dma_start3A_110] : memref<2x25x80xi32, #tpu.memory_space<vmem>> -> memref<1x25x80xi32, #tpu.memory_space<vmem>>
      %dma_start3A_112 = tpu.memref_squeeze %dma_start3A_111 : memref<1x25x80xi32, #tpu.memory_space<vmem>> -> memref<25x80xi32, #tpu.memory_space<vmem>>
      %dma_start3A_113 = arith.constant 0 : i32
      %dma_start3A_114 = arith.constant 0 : i32
      %dma_start3A_115 = tpu.memref_slice %arg5[%arg0, %arg1, %dma_start3A_107, %dma_start3A_113, %dma_start3A_114] : memref<2x16x10x25x80xi32, #tpu.memory_space<hbm>> -> memref<1x1x1x25x80xi32, #tpu.memory_space<hbm>>
      %dma_start3A_116 = tpu.memref_squeeze %dma_start3A_115 : memref<1x1x1x25x80xi32, #tpu.memory_space<hbm>> -> memref<25x80xi32, #tpu.memory_space<hbm>>
      %dma_start3A_117 = arith.constant 0 : i32
      %dma_start3A_118 = arith.constant 0 : i32
      %dma_start3A_119 = tpu.memref_slice %arg12[%dma_start3A_108, %dma_start3A_117, %dma_start3A_118] : memref<2x25x80xi32, #tpu.memory_space<vmem>> -> memref<1x25x80xi32, #tpu.memory_space<vmem>>
      %dma_start3A_120 = tpu.memref_squeeze %dma_start3A_119 : memref<1x25x80xi32, #tpu.memory_space<vmem>> -> memref<25x80xi32, #tpu.memory_space<vmem>>
      %dma_start3A_121 = arith.constant 0 : i32
      %dma_start3A_122 = arith.constant 0 : i32
      %dma_start3A_123 = tpu.memref_slice %arg5[%arg0, %arg1, %dma_start3A_107, %dma_start3A_121, %dma_start3A_122] : memref<2x16x10x25x80xi32, #tpu.memory_space<hbm>> -> memref<1x1x1x25x80xi32, #tpu.memory_space<hbm>>
      %dma_start3A_124 = tpu.memref_squeeze %dma_start3A_123 : memref<1x1x1x25x80xi32, #tpu.memory_space<hbm>> -> memref<25x80xi32, #tpu.memory_space<hbm>>
      tpu.enqueue_dma source(%dma_start3A_124 : memref<25x80xi32, #tpu.memory_space<hbm>>) target(%dma_start3A_120 : memref<25x80xi32, #tpu.memory_space<vmem>>) target_semaphore(%arg18 : memref<!tpu.dma_semaphore, #tpu.memory_space<semaphore_mem>>)
      %dma_start3A_125 = arith.constant 0 : i32
      %dma_start3A_126 = arith.constant 0 : i32
      %dma_start3A_127 = arith.constant 0 : i32
      %dma_start3A_128 = arith.constant 0 : i32
      %dma_start3A_129 = arith.constant 0 : i32
      %dma_start3A_130 = tpu.memref_slice %arg13[%dma_start3A_127, %dma_start3A_128, %dma_start3A_129] : memref<6x80x128xbf16, #tpu.memory_space<vmem>> -> memref<1x80x128xbf16, #tpu.memory_space<vmem>>
      %dma_start3A_131 = tpu.memref_squeeze %dma_start3A_130 : memref<1x80x128xbf16, #tpu.memory_space<vmem>> -> memref<80x128xbf16, #tpu.memory_space<vmem>>
      %dma_start3A_132 = arith.constant 0 : i32
      %dma_start3A_133 = tpu.memref_slice %arg11[%dma_start3A_125, %dma_start3A_126, %dma_start3A_132] : memref<2x25x80xi32, #tpu.memory_space<vmem>> -> memref<1x1x80xi32, #tpu.memory_space<vmem>>
      %dma_start3A_134 = tpu.memref_squeeze %dma_start3A_133 : memref<1x1x80xi32, #tpu.memory_space<vmem>> -> memref<80xi32, #tpu.memory_space<vmem>>
      %dma_start3A_135 = arith.constant 0 : i32
      %dma_start3A_136 = arith.constant 0 : i32
      %dma_start3A_137 = tpu.memref_slice %arg2[%dma_start3A_135, %dma_start3A_136] : memref<10000x128xbf16, #tpu.memory_space<hbm>> -> memref<10000x128xbf16, #tpu.memory_space<hbm>>
      tpu.enqueue_indirect_dma source(%dma_start3A_137 : memref<10000x128xbf16, #tpu.memory_space<hbm>>) target(%dma_start3A_131 : memref<80x128xbf16, #tpu.memory_space<vmem>>) offsets(%dma_start3A_134 : memref<80xi32, #tpu.memory_space<vmem>>) semaphore(%arg17 : memref<!tpu.dma_semaphore, #tpu.memory_space<semaphore_mem>>)
      %dma_start3A_138 = arith.constant 0 : i32
      %dma_start3A_139 = arith.constant 1 : i32
      %dma_start3A_140 = arith.constant 1 : i32
      %dma_start3A_141 = arith.constant 0 : i32
      %dma_start3A_142 = arith.constant 0 : i32
      %dma_start3A_143 = tpu.memref_slice %arg13[%dma_start3A_140, %dma_start3A_141, %dma_start3A_142] : memref<6x80x128xbf16, #tpu.memory_space<vmem>> -> memref<1x80x128xbf16, #tpu.memory_space<vmem>>
      %dma_start3A_144 = tpu.memref_squeeze %dma_start3A_143 : memref<1x80x128xbf16, #tpu.memory_space<vmem>> -> memref<80x128xbf16, #tpu.memory_space<vmem>>
      %dma_start3A_145 = arith.constant 0 : i32
      %dma_start3A_146 = tpu.memref_slice %arg11[%dma_start3A_138, %dma_start3A_139, %dma_start3A_145] : memref<2x25x80xi32, #tpu.memory_space<vmem>> -> memref<1x1x80xi32, #tpu.memory_space<vmem>>
      %dma_start3A_147 = tpu.memref_squeeze %dma_start3A_146 : memref<1x1x80xi32, #tpu.memory_space<vmem>> -> memref<80xi32, #tpu.memory_space<vmem>>
      %dma_start3A_148 = arith.constant 0 : i32
      %dma_start3A_149 = arith.constant 0 : i32
      %dma_start3A_150 = tpu.memref_slice %arg2[%dma_start3A_148, %dma_start3A_149] : memref<10000x128xbf16, #tpu.memory_space<hbm>> -> memref<10000x128xbf16, #tpu.memory_space<hbm>>
      tpu.enqueue_indirect_dma source(%dma_start3A_150 : memref<10000x128xbf16, #tpu.memory_space<hbm>>) target(%dma_start3A_144 : memref<80x128xbf16, #tpu.memory_space<vmem>>) offsets(%dma_start3A_147 : memref<80xi32, #tpu.memory_space<vmem>>) semaphore(%arg17 : memref<!tpu.dma_semaphore, #tpu.memory_space<semaphore_mem>>)
      %dma_start3A_151 = arith.constant 0 : i32
      %dma_start3A_152 = arith.constant 2 : i32
      %dma_start3A_153 = arith.constant 2 : i32
      %dma_start3A_154 = arith.constant 0 : i32
      %dma_start3A_155 = arith.constant 0 : i32
      %dma_start3A_156 = tpu.memref_slice %arg13[%dma_start3A_153, %dma_start3A_154, %dma_start3A_155] : memref<6x80x128xbf16, #tpu.memory_space<vmem>> -> memref<1x80x128xbf16, #tpu.memory_space<vmem>>
      %dma_start3A_157 = tpu.memref_squeeze %dma_start3A_156 : memref<1x80x128xbf16, #tpu.memory_space<vmem>> -> memref<80x128xbf16, #tpu.memory_space<vmem>>
      %dma_start3A_158 = arith.constant 0 : i32
      %dma_start3A_159 = tpu.memref_slice %arg11[%dma_start3A_151, %dma_start3A_152, %dma_start3A_158] : memref<2x25x80xi32, #tpu.memory_space<vmem>> -> memref<1x1x80xi32, #tpu.memory_space<vmem>>
      %dma_start3A_160 = tpu.memref_squeeze %dma_start3A_159 : memref<1x1x80xi32, #tpu.memory_space<vmem>> -> memref<80xi32, #tpu.memory_space<vmem>>
      %dma_start3A_161 = arith.constant 0 : i32
      %dma_start3A_162 = arith.constant 0 : i32
      %dma_start3A_163 = tpu.memref_slice %arg2[%dma_start3A_161, %dma_start3A_162] : memref<10000x128xbf16, #tpu.memory_space<hbm>> -> memref<10000x128xbf16, #tpu.memory_space<hbm>>
      tpu.enqueue_indirect_dma source(%dma_start3A_163 : memref<10000x128xbf16, #tpu.memory_space<hbm>>) target(%dma_start3A_157 : memref<80x128xbf16, #tpu.memory_space<vmem>>) offsets(%dma_start3A_160 : memref<80xi32, #tpu.memory_space<vmem>>) semaphore(%arg17 : memref<!tpu.dma_semaphore, #tpu.memory_space<semaphore_mem>>)
      %dma_start3A_164 = arith.constant 0 : i32
      %dma_start3A_165 = arith.constant 3 : i32
      %dma_start3A_166 = arith.constant 3 : i32
      %dma_start3A_167 = arith.constant 0 : i32
      %dma_start3A_168 = arith.constant 0 : i32
      %dma_start3A_169 = tpu.memref_slice %arg13[%dma_start3A_166, %dma_start3A_167, %dma_start3A_168] : memref<6x80x128xbf16, #tpu.memory_space<vmem>> -> memref<1x80x128xbf16, #tpu.memory_space<vmem>>
      %dma_start3A_170 = tpu.memref_squeeze %dma_start3A_169 : memref<1x80x128xbf16, #tpu.memory_space<vmem>> -> memref<80x128xbf16, #tpu.memory_space<vmem>>
      %dma_start3A_171 = arith.constant 0 : i32
      %dma_start3A_172 = tpu.memref_slice %arg11[%dma_start3A_164, %dma_start3A_165, %dma_start3A_171] : memref<2x25x80xi32, #tpu.memory_space<vmem>> -> memref<1x1x80xi32, #tpu.memory_space<vmem>>
      %dma_start3A_173 = tpu.memref_squeeze %dma_start3A_172 : memref<1x1x80xi32, #tpu.memory_space<vmem>> -> memref<80xi32, #tpu.memory_space<vmem>>
      %dma_start3A_174 = arith.constant 0 : i32
      %dma_start3A_175 = arith.constant 0 : i32
      %dma_start3A_176 = tpu.memref_slice %arg2[%dma_start3A_174, %dma_start3A_175] : memref<10000x128xbf16, #tpu.memory_space<hbm>> -> memref<10000x128xbf16, #tpu.memory_space<hbm>>
      tpu.enqueue_indirect_dma source(%dma_start3A_176 : memref<10000x128xbf16, #tpu.memory_space<hbm>>) target(%dma_start3A_170 : memref<80x128xbf16, #tpu.memory_space<vmem>>) offsets(%dma_start3A_173 : memref<80xi32, #tpu.memory_space<vmem>>) semaphore(%arg17 : memref<!tpu.dma_semaphore, #tpu.memory_space<semaphore_mem>>)
      %dma_start3A_177 = arith.constant 0 : i32
      %dma_start3A_178 = arith.constant 4 : i32
      %dma_start3A_179 = arith.constant 4 : i32
      %dma_start3A_180 = arith.constant 0 : i32
      %dma_start3A_181 = arith.constant 0 : i32
      %dma_start3A_182 = tpu.memref_slice %arg13[%dma_start3A_179, %dma_start3A_180, %dma_start3A_181] : memref<6x80x128xbf16, #tpu.memory_space<vmem>> -> memref<1x80x128xbf16, #tpu.memory_space<vmem>>
      %dma_start3A_183 = tpu.memref_squeeze %dma_start3A_182 : memref<1x80x128xbf16, #tpu.memory_space<vmem>> -> memref<80x128xbf16, #tpu.memory_space<vmem>>
      %dma_start3A_184 = arith.constant 0 : i32
      %dma_start3A_185 = tpu.memref_slice %arg11[%dma_start3A_177, %dma_start3A_178, %dma_start3A_184] : memref<2x25x80xi32, #tpu.memory_space<vmem>> -> memref<1x1x80xi32, #tpu.memory_space<vmem>>
      %dma_start3A_186 = tpu.memref_squeeze %dma_start3A_185 : memref<1x1x80xi32, #tpu.memory_space<vmem>> -> memref<80xi32, #tpu.memory_space<vmem>>
      %dma_start3A_187 = arith.constant 0 : i32
      %dma_start3A_188 = arith.constant 0 : i32
      %dma_start3A_189 = tpu.memref_slice %arg2[%dma_start3A_187, %dma_start3A_188] : memref<10000x128xbf16, #tpu.memory_space<hbm>> -> memref<10000x128xbf16, #tpu.memory_space<hbm>>
      tpu.enqueue_indirect_dma source(%dma_start3A_189 : memref<10000x128xbf16, #tpu.memory_space<hbm>>) target(%dma_start3A_183 : memref<80x128xbf16, #tpu.memory_space<vmem>>) offsets(%dma_start3A_186 : memref<80xi32, #tpu.memory_space<vmem>>) semaphore(%arg17 : memref<!tpu.dma_semaphore, #tpu.memory_space<semaphore_mem>>)
      %scan3A = arith.constant 0 : i32
      %scan3A_190 = arith.constant 250 : i32
      %scan3A_191 = arith.addi %scan3A, %scan3A_190 : i32
      %scan3A_192 = arith.constant 1 : i32
      scf.for %scan3A_194 = %scan3A to %scan3A_191 step %scan3A_192  : i32 {
        %div3A = arith.constant 25 : i32
        %div3A_195 = arith.divsi %scan3A_194, %div3A : i32
        %rem3A = arith.constant 25 : i32
        %rem3A_196 = arith.remsi %scan3A_194, %rem3A : i32
        %rem3A_197 = arith.constant 2 : i32
        %rem3A_198 = arith.remsi %div3A_195, %rem3A_197 : i32
        %rem3A_199 = arith.constant 6 : i32
        %rem3A_200 = arith.remsi %scan3A_194, %rem3A_199 : i32
        %dma_wait3A_201 = arith.constant 0 : i32
        %dma_wait3A_202 = arith.constant 0 : i32
        %dma_wait3A_203 = tpu.memref_slice %arg13[%rem3A_200, %dma_wait3A_201, %dma_wait3A_202] : memref<6x80x128xbf16, #tpu.memory_space<vmem>> -> memref<1x80x128xbf16, #tpu.memory_space<vmem>>
        %dma_wait3A_204 = tpu.memref_squeeze %dma_wait3A_203 : memref<1x80x128xbf16, #tpu.memory_space<vmem>> -> memref<80x128xbf16, #tpu.memory_space<vmem>>
        %dma_wait3A_205 = arith.constant 0 : i32
        %dma_wait3A_206 = tpu.memref_slice %arg11[%rem3A_198, %rem3A_196, %dma_wait3A_205] : memref<2x25x80xi32, #tpu.memory_space<vmem>> -> memref<1x1x80xi32, #tpu.memory_space<vmem>>
        %dma_wait3A_207 = tpu.memref_squeeze %dma_wait3A_206 : memref<1x1x80xi32, #tpu.memory_space<vmem>> -> memref<80xi32, #tpu.memory_space<vmem>>
        %dma_wait3A_208 = arith.constant 0 : i32
        %dma_wait3A_209 = arith.constant 0 : i32
        %dma_wait3A_210 = tpu.memref_slice %arg2[%dma_wait3A_208, %dma_wait3A_209] : memref<10000x128xbf16, #tpu.memory_space<hbm>> -> memref<10000x128xbf16, #tpu.memory_space<hbm>>
        tpu.wait_indirect_dma semaphore(%arg17 : memref<!tpu.dma_semaphore, #tpu.memory_space<semaphore_mem>>) src(%dma_wait3A_210 : memref<10000x128xbf16, #tpu.memory_space<hbm>>) dst(%dma_wait3A_204 : memref<80x128xbf16, #tpu.memory_space<vmem>>)
        %eq3A_211 = arith.constant 0 : i32
        %eq3A_212 = arith.cmpi eq, %rem3A_196, %eq3A_211 : i32
        %gt3A = arith.constant 0 : i32
        %gt3A_213 = arith.cmpi sgt, %scan3A_194, %gt3A : i32
        %and3A = arith.andi %eq3A_212, %gt3A_213 : i1
        %add3A = arith.constant 1 : i32
        %add3A_214 = arith.addi %div3A_195, %add3A : i32
        %lt3A = arith.constant 10 : i32
        %lt3A_215 = arith.cmpi slt, %add3A_214, %lt3A : i32
        %and3A_216 = arith.andi %and3A, %lt3A_215 : i1
        %convert_element_type3A_217 = arith.extui %and3A_216 : i1 to i32
        %cond3A_218 = arith.constant 0 : i32
        %cond3A_219 = arith.cmpi ne, %convert_element_type3A_217, %cond3A_218 : i32
        scf.if %cond3A_219 {
          %add3A_228 = arith.constant 1 : i32
          %add3A_229 = arith.addi %div3A_195, %add3A_228 : i32
          %sub3A_230 = arith.constant 1 : i32
          %sub3A_231 = arith.subi %sub3A_230, %rem3A_198 : i32
          %dma_start3A_232 = arith.constant 0 : i32
          %dma_start3A_233 = arith.constant 0 : i32
          %dma_start3A_234 = tpu.memref_slice %arg11[%sub3A_231, %dma_start3A_232, %dma_start3A_233] : memref<2x25x80xi32, #tpu.memory_space<vmem>> -> memref<1x25x80xi32, #tpu.memory_space<vmem>>
          %dma_start3A_235 = tpu.memref_squeeze %dma_start3A_234 : memref<1x25x80xi32, #tpu.memory_space<vmem>> -> memref<25x80xi32, #tpu.memory_space<vmem>>
          %dma_start3A_236 = arith.constant 0 : i32
          %dma_start3A_237 = arith.constant 0 : i32
          %dma_start3A_238 = tpu.memref_slice %arg4[%arg0, %arg1, %add3A_229, %dma_start3A_236, %dma_start3A_237] : memref<2x16x10x25x80xi32, #tpu.memory_space<hbm>> -> memref<1x1x1x25x80xi32, #tpu.memory_space<hbm>>
          %dma_start3A_239 = tpu.memref_squeeze %dma_start3A_238 : memref<1x1x1x25x80xi32, #tpu.memory_space<hbm>> -> memref<25x80xi32, #tpu.memory_space<hbm>>
          %dma_start3A_240 = arith.constant 0 : i32
          %dma_start3A_241 = arith.constant 0 : i32
          %dma_start3A_242 = tpu.memref_slice %arg11[%sub3A_231, %dma_start3A_240, %dma_start3A_241] : memref<2x25x80xi32, #tpu.memory_space<vmem>> -> memref<1x25x80xi32, #tpu.memory_space<vmem>>
          %dma_start3A_243 = tpu.memref_squeeze %dma_start3A_242 : memref<1x25x80xi32, #tpu.memory_space<vmem>> -> memref<25x80xi32, #tpu.memory_space<vmem>>
          %dma_start3A_244 = arith.constant 0 : i32
          %dma_start3A_245 = arith.constant 0 : i32
          %dma_start3A_246 = tpu.memref_slice %arg4[%arg0, %arg1, %add3A_229, %dma_start3A_244, %dma_start3A_245] : memref<2x16x10x25x80xi32, #tpu.memory_space<hbm>> -> memref<1x1x1x25x80xi32, #tpu.memory_space<hbm>>
          %dma_start3A_247 = tpu.memref_squeeze %dma_start3A_246 : memref<1x1x1x25x80xi32, #tpu.memory_space<hbm>> -> memref<25x80xi32, #tpu.memory_space<hbm>>
          tpu.enqueue_dma source(%dma_start3A_247 : memref<25x80xi32, #tpu.memory_space<hbm>>) target(%dma_start3A_243 : memref<25x80xi32, #tpu.memory_space<vmem>>) target_semaphore(%arg18 : memref<!tpu.dma_semaphore, #tpu.memory_space<semaphore_mem>>)
          %add3A_248 = arith.constant 1 : i32
          %add3A_249 = arith.addi %div3A_195, %add3A_248 : i32
          %sub3A_250 = arith.constant 1 : i32
          %sub3A_251 = arith.subi %sub3A_250, %rem3A_198 : i32
          %dma_start3A_252 = arith.constant 0 : i32
          %dma_start3A_253 = arith.constant 0 : i32
          %dma_start3A_254 = tpu.memref_slice %arg12[%sub3A_251, %dma_start3A_252, %dma_start3A_253] : memref<2x25x80xi32, #tpu.memory_space<vmem>> -> memref<1x25x80xi32, #tpu.memory_space<vmem>>
          %dma_start3A_255 = tpu.memref_squeeze %dma_start3A_254 : memref<1x25x80xi32, #tpu.memory_space<vmem>> -> memref<25x80xi32, #tpu.memory_space<vmem>>
          %dma_start3A_256 = arith.constant 0 : i32
          %dma_start3A_257 = arith.constant 0 : i32
          %dma_start3A_258 = tpu.memref_slice %arg5[%arg0, %arg1, %add3A_249, %dma_start3A_256, %dma_start3A_257] : memref<2x16x10x25x80xi32, #tpu.memory_space<hbm>> -> memref<1x1x1x25x80xi32, #tpu.memory_space<hbm>>
          %dma_start3A_259 = tpu.memref_squeeze %dma_start3A_258 : memref<1x1x1x25x80xi32, #tpu.memory_space<hbm>> -> memref<25x80xi32, #tpu.memory_space<hbm>>
          %dma_start3A_260 = arith.constant 0 : i32
          %dma_start3A_261 = arith.constant 0 : i32
          %dma_start3A_262 = tpu.memref_slice %arg12[%sub3A_251, %dma_start3A_260, %dma_start3A_261] : memref<2x25x80xi32, #tpu.memory_space<vmem>> -> memref<1x25x80xi32, #tpu.memory_space<vmem>>
          %dma_start3A_263 = tpu.memref_squeeze %dma_start3A_262 : memref<1x25x80xi32, #tpu.memory_space<vmem>> -> memref<25x80xi32, #tpu.memory_space<vmem>>
          %dma_start3A_264 = arith.constant 0 : i32
          %dma_start3A_265 = arith.constant 0 : i32
          %dma_start3A_266 = tpu.memref_slice %arg5[%arg0, %arg1, %add3A_249, %dma_start3A_264, %dma_start3A_265] : memref<2x16x10x25x80xi32, #tpu.memory_space<hbm>> -> memref<1x1x1x25x80xi32, #tpu.memory_space<hbm>>
          %dma_start3A_267 = tpu.memref_squeeze %dma_start3A_266 : memref<1x1x1x25x80xi32, #tpu.memory_space<hbm>> -> memref<25x80xi32, #tpu.memory_space<hbm>>
          tpu.enqueue_dma source(%dma_start3A_267 : memref<25x80xi32, #tpu.memory_space<hbm>>) target(%dma_start3A_263 : memref<25x80xi32, #tpu.memory_space<vmem>>) target_semaphore(%arg18 : memref<!tpu.dma_semaphore, #tpu.memory_space<semaphore_mem>>)
        } else {
        }
        %add3A_220 = arith.constant 6 : i32
        %add3A_221 = arith.addi %scan3A_194, %add3A_220 : i32
        %sub3A = arith.constant 1 : i32
        %sub3A_222 = arith.subi %add3A_221, %sub3A : i32
        %lt3A_223 = arith.constant 250 : i32
        %lt3A_224 = arith.cmpi slt, %sub3A_222, %lt3A_223 : i32
        %convert_element_type3A_225 = arith.extui %lt3A_224 : i1 to i32
        %cond3A_226 = arith.constant 0 : i32
        %cond3A_227 = arith.cmpi ne, %convert_element_type3A_225, %cond3A_226 : i32
        scf.if %cond3A_227 {
          %div3A_228 = arith.constant 25 : i32
          %div3A_229 = arith.divsi %sub3A_222, %div3A_228 : i32
          %rem3A_230 = arith.constant 25 : i32
          %rem3A_231 = arith.remsi %sub3A_222, %rem3A_230 : i32
          %rem3A_232 = arith.constant 2 : i32
          %rem3A_233 = arith.remsi %div3A_229, %rem3A_232 : i32
          %eq3A_234 = arith.constant 0 : i32
          %eq3A_235 = arith.cmpi eq, %rem3A_231, %eq3A_234 : i32
          %convert_element_type3A_236 = arith.extui %eq3A_235 : i1 to i32
          %cond3A_237 = arith.constant 0 : i32
          %cond3A_238 = arith.cmpi ne, %convert_element_type3A_236, %cond3A_237 : i32
          scf.if %cond3A_238 {
            %dma_wait3A_251 = arith.constant 0 : i32
            %dma_wait3A_252 = arith.constant 0 : i32
            %dma_wait3A_253 = tpu.memref_slice %arg11[%rem3A_233, %dma_wait3A_251, %dma_wait3A_252] : memref<2x25x80xi32, #tpu.memory_space<vmem>> -> memref<1x25x80xi32, #tpu.memory_space<vmem>>
            %dma_wait3A_254 = tpu.memref_squeeze %dma_wait3A_253 : memref<1x25x80xi32, #tpu.memory_space<vmem>> -> memref<25x80xi32, #tpu.memory_space<vmem>>
            %dma_wait3A_255 = arith.constant 0 : i32
            %dma_wait3A_256 = arith.constant 0 : i32
            %dma_wait3A_257 = tpu.memref_slice %arg4[%arg0, %arg1, %div3A_229, %dma_wait3A_255, %dma_wait3A_256] : memref<2x16x10x25x80xi32, #tpu.memory_space<hbm>> -> memref<1x1x1x25x80xi32, #tpu.memory_space<hbm>>
            %dma_wait3A_258 = tpu.memref_squeeze %dma_wait3A_257 : memref<1x1x1x25x80xi32, #tpu.memory_space<hbm>> -> memref<25x80xi32, #tpu.memory_space<hbm>>
            %dma_wait3A_259 = arith.constant 0 : i32
            %dma_wait3A_260 = arith.constant 0 : i32
            %dma_wait3A_261 = tpu.memref_slice %arg11[%rem3A_233, %dma_wait3A_259, %dma_wait3A_260] : memref<2x25x80xi32, #tpu.memory_space<vmem>> -> memref<1x25x80xi32, #tpu.memory_space<vmem>>
            %dma_wait3A_262 = tpu.memref_squeeze %dma_wait3A_261 : memref<1x25x80xi32, #tpu.memory_space<vmem>> -> memref<25x80xi32, #tpu.memory_space<vmem>>
            %dma_wait3A_263 = arith.constant 0 : i32
            %dma_wait3A_264 = arith.constant 0 : i32
            %dma_wait3A_265 = tpu.memref_slice %arg4[%arg0, %arg1, %div3A_229, %dma_wait3A_263, %dma_wait3A_264] : memref<2x16x10x25x80xi32, #tpu.memory_space<hbm>> -> memref<1x1x1x25x80xi32, #tpu.memory_space<hbm>>
            %dma_wait3A_266 = tpu.memref_squeeze %dma_wait3A_265 : memref<1x1x1x25x80xi32, #tpu.memory_space<hbm>> -> memref<25x80xi32, #tpu.memory_space<hbm>>
            tpu.wait_dma2 semaphore(%arg18 : memref<!tpu.dma_semaphore, #tpu.memory_space<semaphore_mem>>) src(%dma_wait3A_266 : memref<25x80xi32, #tpu.memory_space<hbm>>) dst(%dma_wait3A_262 : memref<25x80xi32, #tpu.memory_space<vmem>>)
            %dma_wait3A_267 = arith.constant 0 : i32
            %dma_wait3A_268 = arith.constant 0 : i32
            %dma_wait3A_269 = tpu.memref_slice %arg12[%rem3A_233, %dma_wait3A_267, %dma_wait3A_268] : memref<2x25x80xi32, #tpu.memory_space<vmem>> -> memref<1x25x80xi32, #tpu.memory_space<vmem>>
            %dma_wait3A_270 = tpu.memref_squeeze %dma_wait3A_269 : memref<1x25x80xi32, #tpu.memory_space<vmem>> -> memref<25x80xi32, #tpu.memory_space<vmem>>
            %dma_wait3A_271 = arith.constant 0 : i32
            %dma_wait3A_272 = arith.constant 0 : i32
            %dma_wait3A_273 = tpu.memref_slice %arg5[%arg0, %arg1, %div3A_229, %dma_wait3A_271, %dma_wait3A_272] : memref<2x16x10x25x80xi32, #tpu.memory_space<hbm>> -> memref<1x1x1x25x80xi32, #tpu.memory_space<hbm>>
            %dma_wait3A_274 = tpu.memref_squeeze %dma_wait3A_273 : memref<1x1x1x25x80xi32, #tpu.memory_space<hbm>> -> memref<25x80xi32, #tpu.memory_space<hbm>>
            %dma_wait3A_275 = arith.constant 0 : i32
            %dma_wait3A_276 = arith.constant 0 : i32
            %dma_wait3A_277 = tpu.memref_slice %arg12[%rem3A_233, %dma_wait3A_275, %dma_wait3A_276] : memref<2x25x80xi32, #tpu.memory_space<vmem>> -> memref<1x25x80xi32, #tpu.memory_space<vmem>>
            %dma_wait3A_278 = tpu.memref_squeeze %dma_wait3A_277 : memref<1x25x80xi32, #tpu.memory_space<vmem>> -> memref<25x80xi32, #tpu.memory_space<vmem>>
            %dma_wait3A_279 = arith.constant 0 : i32
            %dma_wait3A_280 = arith.constant 0 : i32
            %dma_wait3A_281 = tpu.memref_slice %arg5[%arg0, %arg1, %div3A_229, %dma_wait3A_279, %dma_wait3A_280] : memref<2x16x10x25x80xi32, #tpu.memory_space<hbm>> -> memref<1x1x1x25x80xi32, #tpu.memory_space<hbm>>
            %dma_wait3A_282 = tpu.memref_squeeze %dma_wait3A_281 : memref<1x1x1x25x80xi32, #tpu.memory_space<hbm>> -> memref<25x80xi32, #tpu.memory_space<hbm>>
            tpu.wait_dma2 semaphore(%arg18 : memref<!tpu.dma_semaphore, #tpu.memory_space<semaphore_mem>>) src(%dma_wait3A_282 : memref<25x80xi32, #tpu.memory_space<hbm>>) dst(%dma_wait3A_278 : memref<25x80xi32, #tpu.memory_space<vmem>>)
          } else {
          }
          %rem3A_239 = arith.constant 6 : i32
          %rem3A_240 = arith.remsi %sub3A_222, %rem3A_239 : i32
          %dma_start3A_241 = arith.constant 0 : i32
          %dma_start3A_242 = arith.constant 0 : i32
          %dma_start3A_243 = tpu.memref_slice %arg13[%rem3A_240, %dma_start3A_241, %dma_start3A_242] : memref<6x80x128xbf16, #tpu.memory_space<vmem>> -> memref<1x80x128xbf16, #tpu.memory_space<vmem>>
          %dma_start3A_244 = tpu.memref_squeeze %dma_start3A_243 : memref<1x80x128xbf16, #tpu.memory_space<vmem>> -> memref<80x128xbf16, #tpu.memory_space<vmem>>
          %dma_start3A_245 = arith.constant 0 : i32
          %dma_start3A_246 = tpu.memref_slice %arg11[%rem3A_233, %rem3A_231, %dma_start3A_245] : memref<2x25x80xi32, #tpu.memory_space<vmem>> -> memref<1x1x80xi32, #tpu.memory_space<vmem>>
          %dma_start3A_247 = tpu.memref_squeeze %dma_start3A_246 : memref<1x1x80xi32, #tpu.memory_space<vmem>> -> memref<80xi32, #tpu.memory_space<vmem>>
          %dma_start3A_248 = arith.constant 0 : i32
          %dma_start3A_249 = arith.constant 0 : i32
          %dma_start3A_250 = tpu.memref_slice %arg2[%dma_start3A_248, %dma_start3A_249] : memref<10000x128xbf16, #tpu.memory_space<hbm>> -> memref<10000x128xbf16, #tpu.memory_space<hbm>>
          tpu.enqueue_indirect_dma source(%dma_start3A_250 : memref<10000x128xbf16, #tpu.memory_space<hbm>>) target(%dma_start3A_244 : memref<80x128xbf16, #tpu.memory_space<vmem>>) offsets(%dma_start3A_247 : memref<80xi32, #tpu.memory_space<vmem>>) semaphore(%arg17 : memref<!tpu.dma_semaphore, #tpu.memory_space<semaphore_mem>>)
        } else {
        }
        "tpu.region"() ({
          %run_scoped3A = tpu.sem_alloc : memref<!tpu.dma_semaphore, #tpu.memory_space<semaphore_mem>>
          %dma_start3A_228 = arith.constant 0 : i32
          %dma_start3A_229 = arith.constant 0 : i32
          %dma_start3A_230 = tpu.memref_slice %arg13[%rem3A_200, %dma_start3A_228, %dma_start3A_229] : memref<6x80x128xbf16, #tpu.memory_space<vmem>> -> memref<1x80x128xbf16, #tpu.memory_space<vmem>>
          %dma_start3A_231 = tpu.memref_squeeze %dma_start3A_230 : memref<1x80x128xbf16, #tpu.memory_space<vmem>> -> memref<80x128xbf16, #tpu.memory_space<vmem>>
          %dma_start3A_232 = arith.constant 0 : i32
          %dma_start3A_233 = tpu.memref_slice %arg12[%rem3A_198, %rem3A_196, %dma_start3A_232] : memref<2x25x80xi32, #tpu.memory_space<vmem>> -> memref<1x1x80xi32, #tpu.memory_space<vmem>>
          %dma_start3A_234 = tpu.memref_squeeze %dma_start3A_233 : memref<1x1x80xi32, #tpu.memory_space<vmem>> -> memref<80xi32, #tpu.memory_space<vmem>>
          %dma_start3A_235 = arith.constant 0 : i32
          %dma_start3A_236 = arith.constant 0 : i32
          %dma_start3A_237 = tpu.memref_slice %arg15[%dma_start3A_235, %dma_start3A_236] : memref<10000x128xbf16, #tpu.memory_space<vmem_shared>> -> memref<10000x128xbf16, #tpu.memory_space<vmem_shared>>
          tpu.enqueue_indirect_dma source(%dma_start3A_231 : memref<80x128xbf16, #tpu.memory_space<vmem>>) target(%dma_start3A_237 : memref<10000x128xbf16, #tpu.memory_space<vmem_shared>>) offsets(%dma_start3A_234 : memref<80xi32, #tpu.memory_space<vmem>>) semaphore(%run_scoped3A : memref<!tpu.dma_semaphore, #tpu.memory_space<semaphore_mem>>) {add = true}
          %dma_wait3A_238 = arith.constant 0 : i32
          %dma_wait3A_239 = arith.constant 0 : i32
          %dma_wait3A_240 = tpu.memref_slice %arg13[%rem3A_200, %dma_wait3A_238, %dma_wait3A_239] : memref<6x80x128xbf16, #tpu.memory_space<vmem>> -> memref<1x80x128xbf16, #tpu.memory_space<vmem>>
          %dma_wait3A_241 = tpu.memref_squeeze %dma_wait3A_240 : memref<1x80x128xbf16, #tpu.memory_space<vmem>> -> memref<80x128xbf16, #tpu.memory_space<vmem>>
          %dma_wait3A_242 = arith.constant 0 : i32
          %dma_wait3A_243 = tpu.memref_slice %arg12[%rem3A_198, %rem3A_196, %dma_wait3A_242] : memref<2x25x80xi32, #tpu.memory_space<vmem>> -> memref<1x1x80xi32, #tpu.memory_space<vmem>>
          %dma_wait3A_244 = tpu.memref_squeeze %dma_wait3A_243 : memref<1x1x80xi32, #tpu.memory_space<vmem>> -> memref<80xi32, #tpu.memory_space<vmem>>
          %dma_wait3A_245 = arith.constant 0 : i32
          %dma_wait3A_246 = arith.constant 0 : i32
          %dma_wait3A_247 = tpu.memref_slice %arg15[%dma_wait3A_245, %dma_wait3A_246] : memref<10000x128xbf16, #tpu.memory_space<vmem_shared>> -> memref<10000x128xbf16, #tpu.memory_space<vmem_shared>>
          tpu.wait_indirect_dma semaphore(%run_scoped3A : memref<!tpu.dma_semaphore, #tpu.memory_space<semaphore_mem>>) src(%dma_wait3A_241 : memref<80x128xbf16, #tpu.memory_space<vmem>>) dst(%dma_wait3A_247 : memref<10000x128xbf16, #tpu.memory_space<vmem_shared>>)
          tpu.yield
        }) : () -> ()
        "tpu.region"() ({
          %run_scoped3A = tpu.sem_alloc : memref<!tpu.dma_semaphore, #tpu.memory_space<semaphore_mem>>
          %dma_start3A_228 = arith.constant 0 : i32
          %dma_start3A_229 = tpu.memref_slice %arg12[%rem3A_198, %rem3A_196, %dma_start3A_228] : memref<2x25x80xi32, #tpu.memory_space<vmem>> -> memref<1x1x80xi32, #tpu.memory_space<vmem>>
          %dma_start3A_230 = tpu.memref_squeeze %dma_start3A_229 : memref<1x1x80xi32, #tpu.memory_space<vmem>> -> memref<80xi32, #tpu.memory_space<vmem>>
          %dma_start3A_231 = arith.constant 0 : i32
          %dma_start3A_232 = arith.constant 0 : i32
          %dma_start3A_233 = tpu.memref_slice %arg16[%dma_start3A_231, %dma_start3A_232] : memref<10000x16xf32, #tpu.memory_space<vmem_shared>> -> memref<10000x16xf32, #tpu.memory_space<vmem_shared>>
          tpu.enqueue_indirect_dma source(%arg14 : memref<80x16xf32, #tpu.memory_space<vmem>>) target(%dma_start3A_233 : memref<10000x16xf32, #tpu.memory_space<vmem_shared>>) offsets(%dma_start3A_230 : memref<80xi32, #tpu.memory_space<vmem>>) semaphore(%run_scoped3A : memref<!tpu.dma_semaphore, #tpu.memory_space<semaphore_mem>>) {add = true}
          %dma_wait3A_234 = arith.constant 0 : i32
          %dma_wait3A_235 = tpu.memref_slice %arg12[%rem3A_198, %rem3A_196, %dma_wait3A_234] : memref<2x25x80xi32, #tpu.memory_space<vmem>> -> memref<1x1x80xi32, #tpu.memory_space<vmem>>
          %dma_wait3A_236 = tpu.memref_squeeze %dma_wait3A_235 : memref<1x1x80xi32, #tpu.memory_space<vmem>> -> memref<80xi32, #tpu.memory_space<vmem>>
          %dma_wait3A_237 = arith.constant 0 : i32
          %dma_wait3A_238 = arith.constant 0 : i32
          %dma_wait3A_239 = tpu.memref_slice %arg16[%dma_wait3A_237, %dma_wait3A_238] : memref<10000x16xf32, #tpu.memory_space<vmem_shared>> -> memref<10000x16xf32, #tpu.memory_space<vmem_shared>>
          tpu.wait_indirect_dma semaphore(%run_scoped3A : memref<!tpu.dma_semaphore, #tpu.memory_space<semaphore_mem>>) src(%arg14 : memref<80x16xf32, #tpu.memory_space<vmem>>) dst(%dma_wait3A_239 : memref<10000x16xf32, #tpu.memory_space<vmem_shared>>)
          tpu.yield
        }) : () -> ()
      }
      %scan3A_193 = arith.constant 250 : i32
    } else {
    }
    %eq3A_5 = arith.constant 1 : i32
    %eq3A_6 = arith.cmpi eq, %arg0, %eq3A_5 : i32
    %convert_element_type3A_7 = arith.extui %eq3A_6 : i1 to i32
    %cond3A_8 = arith.constant 0 : i32
    %cond3A_9 = arith.cmpi ne, %convert_element_type3A_7, %cond3A_8 : i32
    scf.if %cond3A_9 {
      %dma_start3A = arith.constant 0 : i32
      %dma_start3A_19 = arith.constant 0 : i32
      %dma_start3A_20 = arith.constant 0 : i32
      %dma_start3A_21 = arith.constant 0 : i32
      %dma_start3A_22 = tpu.memref_slice %arg11[%dma_start3A_19, %dma_start3A_20, %dma_start3A_21] : memref<2x25x80xi32, #tpu.memory_space<vmem>> -> memref<1x25x80xi32, #tpu.memory_space<vmem>>
      %dma_start3A_23 = tpu.memref_squeeze %dma_start3A_22 : memref<1x25x80xi32, #tpu.memory_space<vmem>> -> memref<25x80xi32, #tpu.memory_space<vmem>>
      %dma_start3A_24 = arith.constant 0 : i32
      %dma_start3A_25 = arith.constant 0 : i32
      %dma_start3A_26 = tpu.memref_slice %arg4[%arg0, %arg1, %dma_start3A, %dma_start3A_24, %dma_start3A_25] : memref<2x16x10x25x80xi32, #tpu.memory_space<hbm>> -> memref<1x1x1x25x80xi32, #tpu.memory_space<hbm>>
      %dma_start3A_27 = tpu.memref_squeeze %dma_start3A_26 : memref<1x1x1x25x80xi32, #tpu.memory_space<hbm>> -> memref<25x80xi32, #tpu.memory_space<hbm>>
      %dma_start3A_28 = arith.constant 0 : i32
      %dma_start3A_29 = arith.constant 0 : i32
      %dma_start3A_30 = tpu.memref_slice %arg11[%dma_start3A_19, %dma_start3A_28, %dma_start3A_29] : memref<2x25x80xi32, #tpu.memory_space<vmem>> -> memref<1x25x80xi32, #tpu.memory_space<vmem>>
      %dma_start3A_31 = tpu.memref_squeeze %dma_start3A_30 : memref<1x25x80xi32, #tpu.memory_space<vmem>> -> memref<25x80xi32, #tpu.memory_space<vmem>>
      %dma_start3A_32 = arith.constant 0 : i32
      %dma_start3A_33 = arith.constant 0 : i32
      %dma_start3A_34 = tpu.memref_slice %arg4[%arg0, %arg1, %dma_start3A, %dma_start3A_32, %dma_start3A_33] : memref<2x16x10x25x80xi32, #tpu.memory_space<hbm>> -> memref<1x1x1x25x80xi32, #tpu.memory_space<hbm>>
      %dma_start3A_35 = tpu.memref_squeeze %dma_start3A_34 : memref<1x1x1x25x80xi32, #tpu.memory_space<hbm>> -> memref<25x80xi32, #tpu.memory_space<hbm>>
      tpu.enqueue_dma source(%dma_start3A_35 : memref<25x80xi32, #tpu.memory_space<hbm>>) target(%dma_start3A_31 : memref<25x80xi32, #tpu.memory_space<vmem>>) target_semaphore(%arg18 : memref<!tpu.dma_semaphore, #tpu.memory_space<semaphore_mem>>)
      %dma_start3A_36 = arith.constant 0 : i32
      %dma_start3A_37 = arith.constant 0 : i32
      %dma_start3A_38 = arith.constant 0 : i32
      %dma_start3A_39 = arith.constant 0 : i32
      %dma_start3A_40 = tpu.memref_slice %arg12[%dma_start3A_37, %dma_start3A_38, %dma_start3A_39] : memref<2x25x80xi32, #tpu.memory_space<vmem>> -> memref<1x25x80xi32, #tpu.memory_space<vmem>>
      %dma_start3A_41 = tpu.memref_squeeze %dma_start3A_40 : memref<1x25x80xi32, #tpu.memory_space<vmem>> -> memref<25x80xi32, #tpu.memory_space<vmem>>
      %dma_start3A_42 = arith.constant 0 : i32
      %dma_start3A_43 = arith.constant 0 : i32
      %dma_start3A_44 = tpu.memref_slice %arg5[%arg0, %arg1, %dma_start3A_36, %dma_start3A_42, %dma_start3A_43] : memref<2x16x10x25x80xi32, #tpu.memory_space<hbm>> -> memref<1x1x1x25x80xi32, #tpu.memory_space<hbm>>
      %dma_start3A_45 = tpu.memref_squeeze %dma_start3A_44 : memref<1x1x1x25x80xi32, #tpu.memory_space<hbm>> -> memref<25x80xi32, #tpu.memory_space<hbm>>
      %dma_start3A_46 = arith.constant 0 : i32
      %dma_start3A_47 = arith.constant 0 : i32
      %dma_start3A_48 = tpu.memref_slice %arg12[%dma_start3A_37, %dma_start3A_46, %dma_start3A_47] : memref<2x25x80xi32, #tpu.memory_space<vmem>> -> memref<1x25x80xi32, #tpu.memory_space<vmem>>
      %dma_start3A_49 = tpu.memref_squeeze %dma_start3A_48 : memref<1x25x80xi32, #tpu.memory_space<vmem>> -> memref<25x80xi32, #tpu.memory_space<vmem>>
      %dma_start3A_50 = arith.constant 0 : i32
      %dma_start3A_51 = arith.constant 0 : i32
      %dma_start3A_52 = tpu.memref_slice %arg5[%arg0, %arg1, %dma_start3A_36, %dma_start3A_50, %dma_start3A_51] : memref<2x16x10x25x80xi32, #tpu.memory_space<hbm>> -> memref<1x1x1x25x80xi32, #tpu.memory_space<hbm>>
      %dma_start3A_53 = tpu.memref_squeeze %dma_start3A_52 : memref<1x1x1x25x80xi32, #tpu.memory_space<hbm>> -> memref<25x80xi32, #tpu.memory_space<hbm>>
      tpu.enqueue_dma source(%dma_start3A_53 : memref<25x80xi32, #tpu.memory_space<hbm>>) target(%dma_start3A_49 : memref<25x80xi32, #tpu.memory_space<vmem>>) target_semaphore(%arg18 : memref<!tpu.dma_semaphore, #tpu.memory_space<semaphore_mem>>)
      %dma_wait3A = arith.constant 0 : i32
      %dma_wait3A_54 = arith.constant 0 : i32
      %dma_wait3A_55 = arith.constant 0 : i32
      %dma_wait3A_56 = arith.constant 0 : i32
      %dma_wait3A_57 = tpu.memref_slice %arg11[%dma_wait3A_54, %dma_wait3A_55, %dma_wait3A_56] : memref<2x25x80xi32, #tpu.memory_space<vmem>> -> memref<1x25x80xi32, #tpu.memory_space<vmem>>
      %dma_wait3A_58 = tpu.memref_squeeze %dma_wait3A_57 : memref<1x25x80xi32, #tpu.memory_space<vmem>> -> memref<25x80xi32, #tpu.memory_space<vmem>>
      %dma_wait3A_59 = arith.constant 0 : i32
      %dma_wait3A_60 = arith.constant 0 : i32
      %dma_wait3A_61 = tpu.memref_slice %arg4[%arg0, %arg1, %dma_wait3A, %dma_wait3A_59, %dma_wait3A_60] : memref<2x16x10x25x80xi32, #tpu.memory_space<hbm>> -> memref<1x1x1x25x80xi32, #tpu.memory_space<hbm>>
      %dma_wait3A_62 = tpu.memref_squeeze %dma_wait3A_61 : memref<1x1x1x25x80xi32, #tpu.memory_space<hbm>> -> memref<25x80xi32, #tpu.memory_space<hbm>>
      %dma_wait3A_63 = arith.constant 0 : i32
      %dma_wait3A_64 = arith.constant 0 : i32
      %dma_wait3A_65 = tpu.memref_slice %arg11[%dma_wait3A_54, %dma_wait3A_63, %dma_wait3A_64] : memref<2x25x80xi32, #tpu.memory_space<vmem>> -> memref<1x25x80xi32, #tpu.memory_space<vmem>>
      %dma_wait3A_66 = tpu.memref_squeeze %dma_wait3A_65 : memref<1x25x80xi32, #tpu.memory_space<vmem>> -> memref<25x80xi32, #tpu.memory_space<vmem>>
      %dma_wait3A_67 = arith.constant 0 : i32
      %dma_wait3A_68 = arith.constant 0 : i32
      %dma_wait3A_69 = tpu.memref_slice %arg4[%arg0, %arg1, %dma_wait3A, %dma_wait3A_67, %dma_wait3A_68] : memref<2x16x10x25x80xi32, #tpu.memory_space<hbm>> -> memref<1x1x1x25x80xi32, #tpu.memory_space<hbm>>
      %dma_wait3A_70 = tpu.memref_squeeze %dma_wait3A_69 : memref<1x1x1x25x80xi32, #tpu.memory_space<hbm>> -> memref<25x80xi32, #tpu.memory_space<hbm>>
      tpu.wait_dma2 semaphore(%arg18 : memref<!tpu.dma_semaphore, #tpu.memory_space<semaphore_mem>>) src(%dma_wait3A_70 : memref<25x80xi32, #tpu.memory_space<hbm>>) dst(%dma_wait3A_66 : memref<25x80xi32, #tpu.memory_space<vmem>>)
      %dma_wait3A_71 = arith.constant 0 : i32
      %dma_wait3A_72 = arith.constant 0 : i32
      %dma_wait3A_73 = arith.constant 0 : i32
      %dma_wait3A_74 = arith.constant 0 : i32
      %dma_wait3A_75 = tpu.memref_slice %arg12[%dma_wait3A_72, %dma_wait3A_73, %dma_wait3A_74] : memref<2x25x80xi32, #tpu.memory_space<vmem>> -> memref<1x25x80xi32, #tpu.memory_space<vmem>>
      %dma_wait3A_76 = tpu.memref_squeeze %dma_wait3A_75 : memref<1x25x80xi32, #tpu.memory_space<vmem>> -> memref<25x80xi32, #tpu.memory_space<vmem>>
      %dma_wait3A_77 = arith.constant 0 : i32
      %dma_wait3A_78 = arith.constant 0 : i32
      %dma_wait3A_79 = tpu.memref_slice %arg5[%arg0, %arg1, %dma_wait3A_71, %dma_wait3A_77, %dma_wait3A_78] : memref<2x16x10x25x80xi32, #tpu.memory_space<hbm>> -> memref<1x1x1x25x80xi32, #tpu.memory_space<hbm>>
      %dma_wait3A_80 = tpu.memref_squeeze %dma_wait3A_79 : memref<1x1x1x25x80xi32, #tpu.memory_space<hbm>> -> memref<25x80xi32, #tpu.memory_space<hbm>>
      %dma_wait3A_81 = arith.constant 0 : i32
      %dma_wait3A_82 = arith.constant 0 : i32
      %dma_wait3A_83 = tpu.memref_slice %arg12[%dma_wait3A_72, %dma_wait3A_81, %dma_wait3A_82] : memref<2x25x80xi32, #tpu.memory_space<vmem>> -> memref<1x25x80xi32, #tpu.memory_space<vmem>>
      %dma_wait3A_84 = tpu.memref_squeeze %dma_wait3A_83 : memref<1x25x80xi32, #tpu.memory_space<vmem>> -> memref<25x80xi32, #tpu.memory_space<vmem>>
      %dma_wait3A_85 = arith.constant 0 : i32
      %dma_wait3A_86 = arith.constant 0 : i32
      %dma_wait3A_87 = tpu.memref_slice %arg5[%arg0, %arg1, %dma_wait3A_71, %dma_wait3A_85, %dma_wait3A_86] : memref<2x16x10x25x80xi32, #tpu.memory_space<hbm>> -> memref<1x1x1x25x80xi32, #tpu.memory_space<hbm>>
      %dma_wait3A_88 = tpu.memref_squeeze %dma_wait3A_87 : memref<1x1x1x25x80xi32, #tpu.memory_space<hbm>> -> memref<25x80xi32, #tpu.memory_space<hbm>>
      tpu.wait_dma2 semaphore(%arg18 : memref<!tpu.dma_semaphore, #tpu.memory_space<semaphore_mem>>) src(%dma_wait3A_88 : memref<25x80xi32, #tpu.memory_space<hbm>>) dst(%dma_wait3A_84 : memref<25x80xi32, #tpu.memory_space<vmem>>)
      %dma_start3A_89 = arith.constant 1 : i32
      %dma_start3A_90 = arith.constant 1 : i32
      %dma_start3A_91 = arith.constant 0 : i32
      %dma_start3A_92 = arith.constant 0 : i32
      %dma_start3A_93 = tpu.memref_slice %arg11[%dma_start3A_90, %dma_start3A_91, %dma_start3A_92] : memref<2x25x80xi32, #tpu.memory_space<vmem>> -> memref<1x25x80xi32, #tpu.memory_space<vmem>>
      %dma_start3A_94 = tpu.memref_squeeze %dma_start3A_93 : memref<1x25x80xi32, #tpu.memory_space<vmem>> -> memref<25x80xi32, #tpu.memory_space<vmem>>
      %dma_start3A_95 = arith.constant 0 : i32
      %dma_start3A_96 = arith.constant 0 : i32
      %dma_start3A_97 = tpu.memref_slice %arg4[%arg0, %arg1, %dma_start3A_89, %dma_start3A_95, %dma_start3A_96] : memref<2x16x10x25x80xi32, #tpu.memory_space<hbm>> -> memref<1x1x1x25x80xi32, #tpu.memory_space<hbm>>
      %dma_start3A_98 = tpu.memref_squeeze %dma_start3A_97 : memref<1x1x1x25x80xi32, #tpu.memory_space<hbm>> -> memref<25x80xi32, #tpu.memory_space<hbm>>
      %dma_start3A_99 = arith.constant 0 : i32
      %dma_start3A_100 = arith.constant 0 : i32
      %dma_start3A_101 = tpu.memref_slice %arg11[%dma_start3A_90, %dma_start3A_99, %dma_start3A_100] : memref<2x25x80xi32, #tpu.memory_space<vmem>> -> memref<1x25x80xi32, #tpu.memory_space<vmem>>
      %dma_start3A_102 = tpu.memref_squeeze %dma_start3A_101 : memref<1x25x80xi32, #tpu.memory_space<vmem>> -> memref<25x80xi32, #tpu.memory_space<vmem>>
      %dma_start3A_103 = arith.constant 0 : i32
      %dma_start3A_104 = arith.constant 0 : i32
      %dma_start3A_105 = tpu.memref_slice %arg4[%arg0, %arg1, %dma_start3A_89, %dma_start3A_103, %dma_start3A_104] : memref<2x16x10x25x80xi32, #tpu.memory_space<hbm>> -> memref<1x1x1x25x80xi32, #tpu.memory_space<hbm>>
      %dma_start3A_106 = tpu.memref_squeeze %dma_start3A_105 : memref<1x1x1x25x80xi32, #tpu.memory_space<hbm>> -> memref<25x80xi32, #tpu.memory_space<hbm>>
      tpu.enqueue_dma source(%dma_start3A_106 : memref<25x80xi32, #tpu.memory_space<hbm>>) target(%dma_start3A_102 : memref<25x80xi32, #tpu.memory_space<vmem>>) target_semaphore(%arg18 : memref<!tpu.dma_semaphore, #tpu.memory_space<semaphore_mem>>)
      %dma_start3A_107 = arith.constant 1 : i32
      %dma_start3A_108 = arith.constant 1 : i32
      %dma_start3A_109 = arith.constant 0 : i32
      %dma_start3A_110 = arith.constant 0 : i32
      %dma_start3A_111 = tpu.memref_slice %arg12[%dma_start3A_108, %dma_start3A_109, %dma_start3A_110] : memref<2x25x80xi32, #tpu.memory_space<vmem>> -> memref<1x25x80xi32, #tpu.memory_space<vmem>>
      %dma_start3A_112 = tpu.memref_squeeze %dma_start3A_111 : memref<1x25x80xi32, #tpu.memory_space<vmem>> -> memref<25x80xi32, #tpu.memory_space<vmem>>
      %dma_start3A_113 = arith.constant 0 : i32
      %dma_start3A_114 = arith.constant 0 : i32
      %dma_start3A_115 = tpu.memref_slice %arg5[%arg0, %arg1, %dma_start3A_107, %dma_start3A_113, %dma_start3A_114] : memref<2x16x10x25x80xi32, #tpu.memory_space<hbm>> -> memref<1x1x1x25x80xi32, #tpu.memory_space<hbm>>
      %dma_start3A_116 = tpu.memref_squeeze %dma_start3A_115 : memref<1x1x1x25x80xi32, #tpu.memory_space<hbm>> -> memref<25x80xi32, #tpu.memory_space<hbm>>
      %dma_start3A_117 = arith.constant 0 : i32
      %dma_start3A_118 = arith.constant 0 : i32
      %dma_start3A_119 = tpu.memref_slice %arg12[%dma_start3A_108, %dma_start3A_117, %dma_start3A_118] : memref<2x25x80xi32, #tpu.memory_space<vmem>> -> memref<1x25x80xi32, #tpu.memory_space<vmem>>
      %dma_start3A_120 = tpu.memref_squeeze %dma_start3A_119 : memref<1x25x80xi32, #tpu.memory_space<vmem>> -> memref<25x80xi32, #tpu.memory_space<vmem>>
      %dma_start3A_121 = arith.constant 0 : i32
      %dma_start3A_122 = arith.constant 0 : i32
      %dma_start3A_123 = tpu.memref_slice %arg5[%arg0, %arg1, %dma_start3A_107, %dma_start3A_121, %dma_start3A_122] : memref<2x16x10x25x80xi32, #tpu.memory_space<hbm>> -> memref<1x1x1x25x80xi32, #tpu.memory_space<hbm>>
      %dma_start3A_124 = tpu.memref_squeeze %dma_start3A_123 : memref<1x1x1x25x80xi32, #tpu.memory_space<hbm>> -> memref<25x80xi32, #tpu.memory_space<hbm>>
      tpu.enqueue_dma source(%dma_start3A_124 : memref<25x80xi32, #tpu.memory_space<hbm>>) target(%dma_start3A_120 : memref<25x80xi32, #tpu.memory_space<vmem>>) target_semaphore(%arg18 : memref<!tpu.dma_semaphore, #tpu.memory_space<semaphore_mem>>)
      %dma_start3A_125 = arith.constant 0 : i32
      %dma_start3A_126 = arith.constant 0 : i32
      %dma_start3A_127 = arith.constant 0 : i32
      %dma_start3A_128 = arith.constant 0 : i32
      %dma_start3A_129 = arith.constant 0 : i32
      %dma_start3A_130 = tpu.memref_slice %arg13[%dma_start3A_127, %dma_start3A_128, %dma_start3A_129] : memref<6x80x128xbf16, #tpu.memory_space<vmem>> -> memref<1x80x128xbf16, #tpu.memory_space<vmem>>
      %dma_start3A_131 = tpu.memref_squeeze %dma_start3A_130 : memref<1x80x128xbf16, #tpu.memory_space<vmem>> -> memref<80x128xbf16, #tpu.memory_space<vmem>>
      %dma_start3A_132 = arith.constant 0 : i32
      %dma_start3A_133 = tpu.memref_slice %arg11[%dma_start3A_125, %dma_start3A_126, %dma_start3A_132] : memref<2x25x80xi32, #tpu.memory_space<vmem>> -> memref<1x1x80xi32, #tpu.memory_space<vmem>>
      %dma_start3A_134 = tpu.memref_squeeze %dma_start3A_133 : memref<1x1x80xi32, #tpu.memory_space<vmem>> -> memref<80xi32, #tpu.memory_space<vmem>>
      %dma_start3A_135 = arith.constant 0 : i32
      %dma_start3A_136 = arith.constant 0 : i32
      %dma_start3A_137 = tpu.memref_slice %arg3[%dma_start3A_135, %dma_start3A_136] : memref<10000x128xbf16, #tpu.memory_space<hbm>> -> memref<10000x128xbf16, #tpu.memory_space<hbm>>
      tpu.enqueue_indirect_dma source(%dma_start3A_137 : memref<10000x128xbf16, #tpu.memory_space<hbm>>) target(%dma_start3A_131 : memref<80x128xbf16, #tpu.memory_space<vmem>>) offsets(%dma_start3A_134 : memref<80xi32, #tpu.memory_space<vmem>>) semaphore(%arg17 : memref<!tpu.dma_semaphore, #tpu.memory_space<semaphore_mem>>)
      %dma_start3A_138 = arith.constant 0 : i32
      %dma_start3A_139 = arith.constant 1 : i32
      %dma_start3A_140 = arith.constant 1 : i32
      %dma_start3A_141 = arith.constant 0 : i32
      %dma_start3A_142 = arith.constant 0 : i32
      %dma_start3A_143 = tpu.memref_slice %arg13[%dma_start3A_140, %dma_start3A_141, %dma_start3A_142] : memref<6x80x128xbf16, #tpu.memory_space<vmem>> -> memref<1x80x128xbf16, #tpu.memory_space<vmem>>
      %dma_start3A_144 = tpu.memref_squeeze %dma_start3A_143 : memref<1x80x128xbf16, #tpu.memory_space<vmem>> -> memref<80x128xbf16, #tpu.memory_space<vmem>>
      %dma_start3A_145 = arith.constant 0 : i32
      %dma_start3A_146 = tpu.memref_slice %arg11[%dma_start3A_138, %dma_start3A_139, %dma_start3A_145] : memref<2x25x80xi32, #tpu.memory_space<vmem>> -> memref<1x1x80xi32, #tpu.memory_space<vmem>>
      %dma_start3A_147 = tpu.memref_squeeze %dma_start3A_146 : memref<1x1x80xi32, #tpu.memory_space<vmem>> -> memref<80xi32, #tpu.memory_space<vmem>>
      %dma_start3A_148 = arith.constant 0 : i32
      %dma_start3A_149 = arith.constant 0 : i32
      %dma_start3A_150 = tpu.memref_slice %arg3[%dma_start3A_148, %dma_start3A_149] : memref<10000x128xbf16, #tpu.memory_space<hbm>> -> memref<10000x128xbf16, #tpu.memory_space<hbm>>
      tpu.enqueue_indirect_dma source(%dma_start3A_150 : memref<10000x128xbf16, #tpu.memory_space<hbm>>) target(%dma_start3A_144 : memref<80x128xbf16, #tpu.memory_space<vmem>>) offsets(%dma_start3A_147 : memref<80xi32, #tpu.memory_space<vmem>>) semaphore(%arg17 : memref<!tpu.dma_semaphore, #tpu.memory_space<semaphore_mem>>)
      %dma_start3A_151 = arith.constant 0 : i32
      %dma_start3A_152 = arith.constant 2 : i32
      %dma_start3A_153 = arith.constant 2 : i32
      %dma_start3A_154 = arith.constant 0 : i32
      %dma_start3A_155 = arith.constant 0 : i32
      %dma_start3A_156 = tpu.memref_slice %arg13[%dma_start3A_153, %dma_start3A_154, %dma_start3A_155] : memref<6x80x128xbf16, #tpu.memory_space<vmem>> -> memref<1x80x128xbf16, #tpu.memory_space<vmem>>
      %dma_start3A_157 = tpu.memref_squeeze %dma_start3A_156 : memref<1x80x128xbf16, #tpu.memory_space<vmem>> -> memref<80x128xbf16, #tpu.memory_space<vmem>>
      %dma_start3A_158 = arith.constant 0 : i32
      %dma_start3A_159 = tpu.memref_slice %arg11[%dma_start3A_151, %dma_start3A_152, %dma_start3A_158] : memref<2x25x80xi32, #tpu.memory_space<vmem>> -> memref<1x1x80xi32, #tpu.memory_space<vmem>>
      %dma_start3A_160 = tpu.memref_squeeze %dma_start3A_159 : memref<1x1x80xi32, #tpu.memory_space<vmem>> -> memref<80xi32, #tpu.memory_space<vmem>>
      %dma_start3A_161 = arith.constant 0 : i32
      %dma_start3A_162 = arith.constant 0 : i32
      %dma_start3A_163 = tpu.memref_slice %arg3[%dma_start3A_161, %dma_start3A_162] : memref<10000x128xbf16, #tpu.memory_space<hbm>> -> memref<10000x128xbf16, #tpu.memory_space<hbm>>
      tpu.enqueue_indirect_dma source(%dma_start3A_163 : memref<10000x128xbf16, #tpu.memory_space<hbm>>) target(%dma_start3A_157 : memref<80x128xbf16, #tpu.memory_space<vmem>>) offsets(%dma_start3A_160 : memref<80xi32, #tpu.memory_space<vmem>>) semaphore(%arg17 : memref<!tpu.dma_semaphore, #tpu.memory_space<semaphore_mem>>)
      %dma_start3A_164 = arith.constant 0 : i32
      %dma_start3A_165 = arith.constant 3 : i32
      %dma_start3A_166 = arith.constant 3 : i32
      %dma_start3A_167 = arith.constant 0 : i32
      %dma_start3A_168 = arith.constant 0 : i32
      %dma_start3A_169 = tpu.memref_slice %arg13[%dma_start3A_166, %dma_start3A_167, %dma_start3A_168] : memref<6x80x128xbf16, #tpu.memory_space<vmem>> -> memref<1x80x128xbf16, #tpu.memory_space<vmem>>
      %dma_start3A_170 = tpu.memref_squeeze %dma_start3A_169 : memref<1x80x128xbf16, #tpu.memory_space<vmem>> -> memref<80x128xbf16, #tpu.memory_space<vmem>>
      %dma_start3A_171 = arith.constant 0 : i32
      %dma_start3A_172 = tpu.memref_slice %arg11[%dma_start3A_164, %dma_start3A_165, %dma_start3A_171] : memref<2x25x80xi32, #tpu.memory_space<vmem>> -> memref<1x1x80xi32, #tpu.memory_space<vmem>>
      %dma_start3A_173 = tpu.memref_squeeze %dma_start3A_172 : memref<1x1x80xi32, #tpu.memory_space<vmem>> -> memref<80xi32, #tpu.memory_space<vmem>>
      %dma_start3A_174 = arith.constant 0 : i32
      %dma_start3A_175 = arith.constant 0 : i32
      %dma_start3A_176 = tpu.memref_slice %arg3[%dma_start3A_174, %dma_start3A_175] : memref<10000x128xbf16, #tpu.memory_space<hbm>> -> memref<10000x128xbf16, #tpu.memory_space<hbm>>
      tpu.enqueue_indirect_dma source(%dma_start3A_176 : memref<10000x128xbf16, #tpu.memory_space<hbm>>) target(%dma_start3A_170 : memref<80x128xbf16, #tpu.memory_space<vmem>>) offsets(%dma_start3A_173 : memref<80xi32, #tpu.memory_space<vmem>>) semaphore(%arg17 : memref<!tpu.dma_semaphore, #tpu.memory_space<semaphore_mem>>)
      %dma_start3A_177 = arith.constant 0 : i32
      %dma_start3A_178 = arith.constant 4 : i32
      %dma_start3A_179 = arith.constant 4 : i32
      %dma_start3A_180 = arith.constant 0 : i32
      %dma_start3A_181 = arith.constant 0 : i32
      %dma_start3A_182 = tpu.memref_slice %arg13[%dma_start3A_179, %dma_start3A_180, %dma_start3A_181] : memref<6x80x128xbf16, #tpu.memory_space<vmem>> -> memref<1x80x128xbf16, #tpu.memory_space<vmem>>
      %dma_start3A_183 = tpu.memref_squeeze %dma_start3A_182 : memref<1x80x128xbf16, #tpu.memory_space<vmem>> -> memref<80x128xbf16, #tpu.memory_space<vmem>>
      %dma_start3A_184 = arith.constant 0 : i32
      %dma_start3A_185 = tpu.memref_slice %arg11[%dma_start3A_177, %dma_start3A_178, %dma_start3A_184] : memref<2x25x80xi32, #tpu.memory_space<vmem>> -> memref<1x1x80xi32, #tpu.memory_space<vmem>>
      %dma_start3A_186 = tpu.memref_squeeze %dma_start3A_185 : memref<1x1x80xi32, #tpu.memory_space<vmem>> -> memref<80xi32, #tpu.memory_space<vmem>>
      %dma_start3A_187 = arith.constant 0 : i32
      %dma_start3A_188 = arith.constant 0 : i32
      %dma_start3A_189 = tpu.memref_slice %arg3[%dma_start3A_187, %dma_start3A_188] : memref<10000x128xbf16, #tpu.memory_space<hbm>> -> memref<10000x128xbf16, #tpu.memory_space<hbm>>
      tpu.enqueue_indirect_dma source(%dma_start3A_189 : memref<10000x128xbf16, #tpu.memory_space<hbm>>) target(%dma_start3A_183 : memref<80x128xbf16, #tpu.memory_space<vmem>>) offsets(%dma_start3A_186 : memref<80xi32, #tpu.memory_space<vmem>>) semaphore(%arg17 : memref<!tpu.dma_semaphore, #tpu.memory_space<semaphore_mem>>)
      %scan3A = arith.constant 0 : i32
      %scan3A_190 = arith.constant 250 : i32
      %scan3A_191 = arith.addi %scan3A, %scan3A_190 : i32
      %scan3A_192 = arith.constant 1 : i32
      scf.for %scan3A_194 = %scan3A to %scan3A_191 step %scan3A_192  : i32 {
        %div3A = arith.constant 25 : i32
        %div3A_195 = arith.divsi %scan3A_194, %div3A : i32
        %rem3A = arith.constant 25 : i32
        %rem3A_196 = arith.remsi %scan3A_194, %rem3A : i32
        %rem3A_197 = arith.constant 2 : i32
        %rem3A_198 = arith.remsi %div3A_195, %rem3A_197 : i32
        %rem3A_199 = arith.constant 6 : i32
        %rem3A_200 = arith.remsi %scan3A_194, %rem3A_199 : i32
        %dma_wait3A_201 = arith.constant 0 : i32
        %dma_wait3A_202 = arith.constant 0 : i32
        %dma_wait3A_203 = tpu.memref_slice %arg13[%rem3A_200, %dma_wait3A_201, %dma_wait3A_202] : memref<6x80x128xbf16, #tpu.memory_space<vmem>> -> memref<1x80x128xbf16, #tpu.memory_space<vmem>>
        %dma_wait3A_204 = tpu.memref_squeeze %dma_wait3A_203 : memref<1x80x128xbf16, #tpu.memory_space<vmem>> -> memref<80x128xbf16, #tpu.memory_space<vmem>>
        %dma_wait3A_205 = arith.constant 0 : i32
        %dma_wait3A_206 = tpu.memref_slice %arg11[%rem3A_198, %rem3A_196, %dma_wait3A_205] : memref<2x25x80xi32, #tpu.memory_space<vmem>> -> memref<1x1x80xi32, #tpu.memory_space<vmem>>
        %dma_wait3A_207 = tpu.memref_squeeze %dma_wait3A_206 : memref<1x1x80xi32, #tpu.memory_space<vmem>> -> memref<80xi32, #tpu.memory_space<vmem>>
        %dma_wait3A_208 = arith.constant 0 : i32
        %dma_wait3A_209 = arith.constant 0 : i32
        %dma_wait3A_210 = tpu.memref_slice %arg3[%dma_wait3A_208, %dma_wait3A_209] : memref<10000x128xbf16, #tpu.memory_space<hbm>> -> memref<10000x128xbf16, #tpu.memory_space<hbm>>
        tpu.wait_indirect_dma semaphore(%arg17 : memref<!tpu.dma_semaphore, #tpu.memory_space<semaphore_mem>>) src(%dma_wait3A_210 : memref<10000x128xbf16, #tpu.memory_space<hbm>>) dst(%dma_wait3A_204 : memref<80x128xbf16, #tpu.memory_space<vmem>>)
        %eq3A_211 = arith.constant 0 : i32
        %eq3A_212 = arith.cmpi eq, %rem3A_196, %eq3A_211 : i32
        %gt3A = arith.constant 0 : i32
        %gt3A_213 = arith.cmpi sgt, %scan3A_194, %gt3A : i32
        %and3A = arith.andi %eq3A_212, %gt3A_213 : i1
        %add3A = arith.constant 1 : i32
        %add3A_214 = arith.addi %div3A_195, %add3A : i32
        %lt3A = arith.constant 10 : i32
        %lt3A_215 = arith.cmpi slt, %add3A_214, %lt3A : i32
        %and3A_216 = arith.andi %and3A, %lt3A_215 : i1
        %convert_element_type3A_217 = arith.extui %and3A_216 : i1 to i32
        %cond3A_218 = arith.constant 0 : i32
        %cond3A_219 = arith.cmpi ne, %convert_element_type3A_217, %cond3A_218 : i32
        scf.if %cond3A_219 {
          %add3A_228 = arith.constant 1 : i32
          %add3A_229 = arith.addi %div3A_195, %add3A_228 : i32
          %sub3A_230 = arith.constant 1 : i32
          %sub3A_231 = arith.subi %sub3A_230, %rem3A_198 : i32
          %dma_start3A_232 = arith.constant 0 : i32
          %dma_start3A_233 = arith.constant 0 : i32
          %dma_start3A_234 = tpu.memref_slice %arg11[%sub3A_231, %dma_start3A_232, %dma_start3A_233] : memref<2x25x80xi32, #tpu.memory_space<vmem>> -> memref<1x25x80xi32, #tpu.memory_space<vmem>>
          %dma_start3A_235 = tpu.memref_squeeze %dma_start3A_234 : memref<1x25x80xi32, #tpu.memory_space<vmem>> -> memref<25x80xi32, #tpu.memory_space<vmem>>
          %dma_start3A_236 = arith.constant 0 : i32
          %dma_start3A_237 = arith.constant 0 : i32
          %dma_start3A_238 = tpu.memref_slice %arg4[%arg0, %arg1, %add3A_229, %dma_start3A_236, %dma_start3A_237] : memref<2x16x10x25x80xi32, #tpu.memory_space<hbm>> -> memref<1x1x1x25x80xi32, #tpu.memory_space<hbm>>
          %dma_start3A_239 = tpu.memref_squeeze %dma_start3A_238 : memref<1x1x1x25x80xi32, #tpu.memory_space<hbm>> -> memref<25x80xi32, #tpu.memory_space<hbm>>
          %dma_start3A_240 = arith.constant 0 : i32
          %dma_start3A_241 = arith.constant 0 : i32
          %dma_start3A_242 = tpu.memref_slice %arg11[%sub3A_231, %dma_start3A_240, %dma_start3A_241] : memref<2x25x80xi32, #tpu.memory_space<vmem>> -> memref<1x25x80xi32, #tpu.memory_space<vmem>>
          %dma_start3A_243 = tpu.memref_squeeze %dma_start3A_242 : memref<1x25x80xi32, #tpu.memory_space<vmem>> -> memref<25x80xi32, #tpu.memory_space<vmem>>
          %dma_start3A_244 = arith.constant 0 : i32
          %dma_start3A_245 = arith.constant 0 : i32
          %dma_start3A_246 = tpu.memref_slice %arg4[%arg0, %arg1, %add3A_229, %dma_start3A_244, %dma_start3A_245] : memref<2x16x10x25x80xi32, #tpu.memory_space<hbm>> -> memref<1x1x1x25x80xi32, #tpu.memory_space<hbm>>
          %dma_start3A_247 = tpu.memref_squeeze %dma_start3A_246 : memref<1x1x1x25x80xi32, #tpu.memory_space<hbm>> -> memref<25x80xi32, #tpu.memory_space<hbm>>
          tpu.enqueue_dma source(%dma_start3A_247 : memref<25x80xi32, #tpu.memory_space<hbm>>) target(%dma_start3A_243 : memref<25x80xi32, #tpu.memory_space<vmem>>) target_semaphore(%arg18 : memref<!tpu.dma_semaphore, #tpu.memory_space<semaphore_mem>>)
          %add3A_248 = arith.constant 1 : i32
          %add3A_249 = arith.addi %div3A_195, %add3A_248 : i32
          %sub3A_250 = arith.constant 1 : i32
          %sub3A_251 = arith.subi %sub3A_250, %rem3A_198 : i32
          %dma_start3A_252 = arith.constant 0 : i32
          %dma_start3A_253 = arith.constant 0 : i32
          %dma_start3A_254 = tpu.memref_slice %arg12[%sub3A_251, %dma_start3A_252, %dma_start3A_253] : memref<2x25x80xi32, #tpu.memory_space<vmem>> -> memref<1x25x80xi32, #tpu.memory_space<vmem>>
          %dma_start3A_255 = tpu.memref_squeeze %dma_start3A_254 : memref<1x25x80xi32, #tpu.memory_space<vmem>> -> memref<25x80xi32, #tpu.memory_space<vmem>>
          %dma_start3A_256 = arith.constant 0 : i32
          %dma_start3A_257 = arith.constant 0 : i32
          %dma_start3A_258 = tpu.memref_slice %arg5[%arg0, %arg1, %add3A_249, %dma_start3A_256, %dma_start3A_257] : memref<2x16x10x25x80xi32, #tpu.memory_space<hbm>> -> memref<1x1x1x25x80xi32, #tpu.memory_space<hbm>>
          %dma_start3A_259 = tpu.memref_squeeze %dma_start3A_258 : memref<1x1x1x25x80xi32, #tpu.memory_space<hbm>> -> memref<25x80xi32, #tpu.memory_space<hbm>>
          %dma_start3A_260 = arith.constant 0 : i32
          %dma_start3A_261 = arith.constant 0 : i32
          %dma_start3A_262 = tpu.memref_slice %arg12[%sub3A_251, %dma_start3A_260, %dma_start3A_261] : memref<2x25x80xi32, #tpu.memory_space<vmem>> -> memref<1x25x80xi32, #tpu.memory_space<vmem>>
          %dma_start3A_263 = tpu.memref_squeeze %dma_start3A_262 : memref<1x25x80xi32, #tpu.memory_space<vmem>> -> memref<25x80xi32, #tpu.memory_space<vmem>>
          %dma_start3A_264 = arith.constant 0 : i32
          %dma_start3A_265 = arith.constant 0 : i32
          %dma_start3A_266 = tpu.memref_slice %arg5[%arg0, %arg1, %add3A_249, %dma_start3A_264, %dma_start3A_265] : memref<2x16x10x25x80xi32, #tpu.memory_space<hbm>> -> memref<1x1x1x25x80xi32, #tpu.memory_space<hbm>>
          %dma_start3A_267 = tpu.memref_squeeze %dma_start3A_266 : memref<1x1x1x25x80xi32, #tpu.memory_space<hbm>> -> memref<25x80xi32, #tpu.memory_space<hbm>>
          tpu.enqueue_dma source(%dma_start3A_267 : memref<25x80xi32, #tpu.memory_space<hbm>>) target(%dma_start3A_263 : memref<25x80xi32, #tpu.memory_space<vmem>>) target_semaphore(%arg18 : memref<!tpu.dma_semaphore, #tpu.memory_space<semaphore_mem>>)
        } else {
        }
        %add3A_220 = arith.constant 6 : i32
        %add3A_221 = arith.addi %scan3A_194, %add3A_220 : i32
        %sub3A = arith.constant 1 : i32
        %sub3A_222 = arith.subi %add3A_221, %sub3A : i32
        %lt3A_223 = arith.constant 250 : i32
        %lt3A_224 = arith.cmpi slt, %sub3A_222, %lt3A_223 : i32
        %convert_element_type3A_225 = arith.extui %lt3A_224 : i1 to i32
        %cond3A_226 = arith.constant 0 : i32
        %cond3A_227 = arith.cmpi ne, %convert_element_type3A_225, %cond3A_226 : i32
        scf.if %cond3A_227 {
          %div3A_228 = arith.constant 25 : i32
          %div3A_229 = arith.divsi %sub3A_222, %div3A_228 : i32
          %rem3A_230 = arith.constant 25 : i32
          %rem3A_231 = arith.remsi %sub3A_222, %rem3A_230 : i32
          %rem3A_232 = arith.constant 2 : i32
          %rem3A_233 = arith.remsi %div3A_229, %rem3A_232 : i32
          %eq3A_234 = arith.constant 0 : i32
          %eq3A_235 = arith.cmpi eq, %rem3A_231, %eq3A_234 : i32
          %convert_element_type3A_236 = arith.extui %eq3A_235 : i1 to i32
          %cond3A_237 = arith.constant 0 : i32
          %cond3A_238 = arith.cmpi ne, %convert_element_type3A_236, %cond3A_237 : i32
          scf.if %cond3A_238 {
            %dma_wait3A_251 = arith.constant 0 : i32
            %dma_wait3A_252 = arith.constant 0 : i32
            %dma_wait3A_253 = tpu.memref_slice %arg11[%rem3A_233, %dma_wait3A_251, %dma_wait3A_252] : memref<2x25x80xi32, #tpu.memory_space<vmem>> -> memref<1x25x80xi32, #tpu.memory_space<vmem>>
            %dma_wait3A_254 = tpu.memref_squeeze %dma_wait3A_253 : memref<1x25x80xi32, #tpu.memory_space<vmem>> -> memref<25x80xi32, #tpu.memory_space<vmem>>
            %dma_wait3A_255 = arith.constant 0 : i32
            %dma_wait3A_256 = arith.constant 0 : i32
            %dma_wait3A_257 = tpu.memref_slice %arg4[%arg0, %arg1, %div3A_229, %dma_wait3A_255, %dma_wait3A_256] : memref<2x16x10x25x80xi32, #tpu.memory_space<hbm>> -> memref<1x1x1x25x80xi32, #tpu.memory_space<hbm>>
            %dma_wait3A_258 = tpu.memref_squeeze %dma_wait3A_257 : memref<1x1x1x25x80xi32, #tpu.memory_space<hbm>> -> memref<25x80xi32, #tpu.memory_space<hbm>>
            %dma_wait3A_259 = arith.constant 0 : i32
            %dma_wait3A_260 = arith.constant 0 : i32
            %dma_wait3A_261 = tpu.memref_slice %arg11[%rem3A_233, %dma_wait3A_259, %dma_wait3A_260] : memref<2x25x80xi32, #tpu.memory_space<vmem>> -> memref<1x25x80xi32, #tpu.memory_space<vmem>>
            %dma_wait3A_262 = tpu.memref_squeeze %dma_wait3A_261 : memref<1x25x80xi32, #tpu.memory_space<vmem>> -> memref<25x80xi32, #tpu.memory_space<vmem>>
            %dma_wait3A_263 = arith.constant 0 : i32
            %dma_wait3A_264 = arith.constant 0 : i32
            %dma_wait3A_265 = tpu.memref_slice %arg4[%arg0, %arg1, %div3A_229, %dma_wait3A_263, %dma_wait3A_264] : memref<2x16x10x25x80xi32, #tpu.memory_space<hbm>> -> memref<1x1x1x25x80xi32, #tpu.memory_space<hbm>>
            %dma_wait3A_266 = tpu.memref_squeeze %dma_wait3A_265 : memref<1x1x1x25x80xi32, #tpu.memory_space<hbm>> -> memref<25x80xi32, #tpu.memory_space<hbm>>
            tpu.wait_dma2 semaphore(%arg18 : memref<!tpu.dma_semaphore, #tpu.memory_space<semaphore_mem>>) src(%dma_wait3A_266 : memref<25x80xi32, #tpu.memory_space<hbm>>) dst(%dma_wait3A_262 : memref<25x80xi32, #tpu.memory_space<vmem>>)
            %dma_wait3A_267 = arith.constant 0 : i32
            %dma_wait3A_268 = arith.constant 0 : i32
            %dma_wait3A_269 = tpu.memref_slice %arg12[%rem3A_233, %dma_wait3A_267, %dma_wait3A_268] : memref<2x25x80xi32, #tpu.memory_space<vmem>> -> memref<1x25x80xi32, #tpu.memory_space<vmem>>
            %dma_wait3A_270 = tpu.memref_squeeze %dma_wait3A_269 : memref<1x25x80xi32, #tpu.memory_space<vmem>> -> memref<25x80xi32, #tpu.memory_space<vmem>>
            %dma_wait3A_271 = arith.constant 0 : i32
            %dma_wait3A_272 = arith.constant 0 : i32
            %dma_wait3A_273 = tpu.memref_slice %arg5[%arg0, %arg1, %div3A_229, %dma_wait3A_271, %dma_wait3A_272] : memref<2x16x10x25x80xi32, #tpu.memory_space<hbm>> -> memref<1x1x1x25x80xi32, #tpu.memory_space<hbm>>
            %dma_wait3A_274 = tpu.memref_squeeze %dma_wait3A_273 : memref<1x1x1x25x80xi32, #tpu.memory_space<hbm>> -> memref<25x80xi32, #tpu.memory_space<hbm>>
            %dma_wait3A_275 = arith.constant 0 : i32
            %dma_wait3A_276 = arith.constant 0 : i32
            %dma_wait3A_277 = tpu.memref_slice %arg12[%rem3A_233, %dma_wait3A_275, %dma_wait3A_276] : memref<2x25x80xi32, #tpu.memory_space<vmem>> -> memref<1x25x80xi32, #tpu.memory_space<vmem>>
            %dma_wait3A_278 = tpu.memref_squeeze %dma_wait3A_277 : memref<1x25x80xi32, #tpu.memory_space<vmem>> -> memref<25x80xi32, #tpu.memory_space<vmem>>
            %dma_wait3A_279 = arith.constant 0 : i32
            %dma_wait3A_280 = arith.constant 0 : i32
            %dma_wait3A_281 = tpu.memref_slice %arg5[%arg0, %arg1, %div3A_229, %dma_wait3A_279, %dma_wait3A_280] : memref<2x16x10x25x80xi32, #tpu.memory_space<hbm>> -> memref<1x1x1x25x80xi32, #tpu.memory_space<hbm>>
            %dma_wait3A_282 = tpu.memref_squeeze %dma_wait3A_281 : memref<1x1x1x25x80xi32, #tpu.memory_space<hbm>> -> memref<25x80xi32, #tpu.memory_space<hbm>>
            tpu.wait_dma2 semaphore(%arg18 : memref<!tpu.dma_semaphore, #tpu.memory_space<semaphore_mem>>) src(%dma_wait3A_282 : memref<25x80xi32, #tpu.memory_space<hbm>>) dst(%dma_wait3A_278 : memref<25x80xi32, #tpu.memory_space<vmem>>)
          } else {
          }
          %rem3A_239 = arith.constant 6 : i32
          %rem3A_240 = arith.remsi %sub3A_222, %rem3A_239 : i32
          %dma_start3A_241 = arith.constant 0 : i32
          %dma_start3A_242 = arith.constant 0 : i32
          %dma_start3A_243 = tpu.memref_slice %arg13[%rem3A_240, %dma_start3A_241, %dma_start3A_242] : memref<6x80x128xbf16, #tpu.memory_space<vmem>> -> memref<1x80x128xbf16, #tpu.memory_space<vmem>>
          %dma_start3A_244 = tpu.memref_squeeze %dma_start3A_243 : memref<1x80x128xbf16, #tpu.memory_space<vmem>> -> memref<80x128xbf16, #tpu.memory_space<vmem>>
          %dma_start3A_245 = arith.constant 0 : i32
          %dma_start3A_246 = tpu.memref_slice %arg11[%rem3A_233, %rem3A_231, %dma_start3A_245] : memref<2x25x80xi32, #tpu.memory_space<vmem>> -> memref<1x1x80xi32, #tpu.memory_space<vmem>>
          %dma_start3A_247 = tpu.memref_squeeze %dma_start3A_246 : memref<1x1x80xi32, #tpu.memory_space<vmem>> -> memref<80xi32, #tpu.memory_space<vmem>>
          %dma_start3A_248 = arith.constant 0 : i32
          %dma_start3A_249 = arith.constant 0 : i32
          %dma_start3A_250 = tpu.memref_slice %arg3[%dma_start3A_248, %dma_start3A_249] : memref<10000x128xbf16, #tpu.memory_space<hbm>> -> memref<10000x128xbf16, #tpu.memory_space<hbm>>
          tpu.enqueue_indirect_dma source(%dma_start3A_250 : memref<10000x128xbf16, #tpu.memory_space<hbm>>) target(%dma_start3A_244 : memref<80x128xbf16, #tpu.memory_space<vmem>>) offsets(%dma_start3A_247 : memref<80xi32, #tpu.memory_space<vmem>>) semaphore(%arg17 : memref<!tpu.dma_semaphore, #tpu.memory_space<semaphore_mem>>)
        } else {
        }
        "tpu.region"() ({
          %run_scoped3A = tpu.sem_alloc : memref<!tpu.dma_semaphore, #tpu.memory_space<semaphore_mem>>
          %dma_start3A_228 = arith.constant 0 : i32
          %dma_start3A_229 = arith.constant 0 : i32
          %dma_start3A_230 = tpu.memref_slice %arg13[%rem3A_200, %dma_start3A_228, %dma_start3A_229] : memref<6x80x128xbf16, #tpu.memory_space<vmem>> -> memref<1x80x128xbf16, #tpu.memory_space<vmem>>
          %dma_start3A_231 = tpu.memref_squeeze %dma_start3A_230 : memref<1x80x128xbf16, #tpu.memory_space<vmem>> -> memref<80x128xbf16, #tpu.memory_space<vmem>>
          %dma_start3A_232 = arith.constant 0 : i32
          %dma_start3A_233 = tpu.memref_slice %arg12[%rem3A_198, %rem3A_196, %dma_start3A_232] : memref<2x25x80xi32, #tpu.memory_space<vmem>> -> memref<1x1x80xi32, #tpu.memory_space<vmem>>
          %dma_start3A_234 = tpu.memref_squeeze %dma_start3A_233 : memref<1x1x80xi32, #tpu.memory_space<vmem>> -> memref<80xi32, #tpu.memory_space<vmem>>
          %dma_start3A_235 = arith.constant 0 : i32
          %dma_start3A_236 = arith.constant 0 : i32
          %dma_start3A_237 = tpu.memref_slice %arg15[%dma_start3A_235, %dma_start3A_236] : memref<10000x128xbf16, #tpu.memory_space<vmem_shared>> -> memref<10000x128xbf16, #tpu.memory_space<vmem_shared>>
          tpu.enqueue_indirect_dma source(%dma_start3A_231 : memref<80x128xbf16, #tpu.memory_space<vmem>>) target(%dma_start3A_237 : memref<10000x128xbf16, #tpu.memory_space<vmem_shared>>) offsets(%dma_start3A_234 : memref<80xi32, #tpu.memory_space<vmem>>) semaphore(%run_scoped3A : memref<!tpu.dma_semaphore, #tpu.memory_space<semaphore_mem>>) {add = true}
          %dma_wait3A_238 = arith.constant 0 : i32
          %dma_wait3A_239 = arith.constant 0 : i32
          %dma_wait3A_240 = tpu.memref_slice %arg13[%rem3A_200, %dma_wait3A_238, %dma_wait3A_239] : memref<6x80x128xbf16, #tpu.memory_space<vmem>> -> memref<1x80x128xbf16, #tpu.memory_space<vmem>>
          %dma_wait3A_241 = tpu.memref_squeeze %dma_wait3A_240 : memref<1x80x128xbf16, #tpu.memory_space<vmem>> -> memref<80x128xbf16, #tpu.memory_space<vmem>>
          %dma_wait3A_242 = arith.constant 0 : i32
          %dma_wait3A_243 = tpu.memref_slice %arg12[%rem3A_198, %rem3A_196, %dma_wait3A_242] : memref<2x25x80xi32, #tpu.memory_space<vmem>> -> memref<1x1x80xi32, #tpu.memory_space<vmem>>
          %dma_wait3A_244 = tpu.memref_squeeze %dma_wait3A_243 : memref<1x1x80xi32, #tpu.memory_space<vmem>> -> memref<80xi32, #tpu.memory_space<vmem>>
          %dma_wait3A_245 = arith.constant 0 : i32
          %dma_wait3A_246 = arith.constant 0 : i32
          %dma_wait3A_247 = tpu.memref_slice %arg15[%dma_wait3A_245, %dma_wait3A_246] : memref<10000x128xbf16, #tpu.memory_space<vmem_shared>> -> memref<10000x128xbf16, #tpu.memory_space<vmem_shared>>
          tpu.wait_indirect_dma semaphore(%run_scoped3A : memref<!tpu.dma_semaphore, #tpu.memory_space<semaphore_mem>>) src(%dma_wait3A_241 : memref<80x128xbf16, #tpu.memory_space<vmem>>) dst(%dma_wait3A_247 : memref<10000x128xbf16, #tpu.memory_space<vmem_shared>>)
          tpu.yield
        }) : () -> ()
        "tpu.region"() ({
          %run_scoped3A = tpu.sem_alloc : memref<!tpu.dma_semaphore, #tpu.memory_space<semaphore_mem>>
          %dma_start3A_228 = arith.constant 0 : i32
          %dma_start3A_229 = tpu.memref_slice %arg12[%rem3A_198, %rem3A_196, %dma_start3A_228] : memref<2x25x80xi32, #tpu.memory_space<vmem>> -> memref<1x1x80xi32, #tpu.memory_space<vmem>>
          %dma_start3A_230 = tpu.memref_squeeze %dma_start3A_229 : memref<1x1x80xi32, #tpu.memory_space<vmem>> -> memref<80xi32, #tpu.memory_space<vmem>>
          %dma_start3A_231 = arith.constant 0 : i32
          %dma_start3A_232 = arith.constant 0 : i32
          %dma_start3A_233 = tpu.memref_slice %arg16[%dma_start3A_231, %dma_start3A_232] : memref<10000x16xf32, #tpu.memory_space<vmem_shared>> -> memref<10000x16xf32, #tpu.memory_space<vmem_shared>>
          tpu.enqueue_indirect_dma source(%arg14 : memref<80x16xf32, #tpu.memory_space<vmem>>) target(%dma_start3A_233 : memref<10000x16xf32, #tpu.memory_space<vmem_shared>>) offsets(%dma_start3A_230 : memref<80xi32, #tpu.memory_space<vmem>>) semaphore(%run_scoped3A : memref<!tpu.dma_semaphore, #tpu.memory_space<semaphore_mem>>) {add = true}
          %dma_wait3A_234 = arith.constant 0 : i32
          %dma_wait3A_235 = tpu.memref_slice %arg12[%rem3A_198, %rem3A_196, %dma_wait3A_234] : memref<2x25x80xi32, #tpu.memory_space<vmem>> -> memref<1x1x80xi32, #tpu.memory_space<vmem>>
          %dma_wait3A_236 = tpu.memref_squeeze %dma_wait3A_235 : memref<1x1x80xi32, #tpu.memory_space<vmem>> -> memref<80xi32, #tpu.memory_space<vmem>>
          %dma_wait3A_237 = arith.constant 0 : i32
          %dma_wait3A_238 = arith.constant 0 : i32
          %dma_wait3A_239 = tpu.memref_slice %arg16[%dma_wait3A_237, %dma_wait3A_238] : memref<10000x16xf32, #tpu.memory_space<vmem_shared>> -> memref<10000x16xf32, #tpu.memory_space<vmem_shared>>
          tpu.wait_indirect_dma semaphore(%run_scoped3A : memref<!tpu.dma_semaphore, #tpu.memory_space<semaphore_mem>>) src(%arg14 : memref<80x16xf32, #tpu.memory_space<vmem>>) dst(%dma_wait3A_239 : memref<10000x16xf32, #tpu.memory_space<vmem_shared>>)
          tpu.yield
        }) : () -> ()
      }
      %scan3A_193 = arith.constant 250 : i32
    } else {
    }
    %barrier3A_10 = arith.constant 0 : index
    tpu.barrier barrier_id(%barrier3A_10)
    %mul3A_11 = arith.constant 625 : i32
    %mul3A_12 = arith.muli %arg1, %mul3A_11 : i32
    %mul3A_13 = arith.constant 625 : i32
    %mul3A_14 = arith.muli %arg1, %mul3A_13 : i32
    "tpu.region"() ({
      %run_scoped3A = tpu.sem_alloc : memref<!tpu.dma_semaphore, #tpu.memory_space<semaphore_mem>>
      %dma_start3A = arith.constant 0 : i32
      %dma_start3A_19 = tpu.memref_slice %arg9[%arg0, %mul3A_14, %dma_start3A] : memref<2x10000x128xbf16, #tpu.memory_space<hbm>> -> memref<1x625x128xbf16, #tpu.memory_space<hbm>>
      %dma_start3A_20 = tpu.memref_squeeze %dma_start3A_19 : memref<1x625x128xbf16, #tpu.memory_space<hbm>> -> memref<625x128xbf16, #tpu.memory_space<hbm>>
      %dma_start3A_21 = arith.constant 0 : i32
      %dma_start3A_22 = tpu.memref_slice %arg15[%mul3A_12, %dma_start3A_21] : memref<10000x128xbf16, #tpu.memory_space<vmem_shared>> -> memref<625x128xbf16, #tpu.memory_space<vmem_shared>>
      tpu.enqueue_dma source(%dma_start3A_22 : memref<625x128xbf16, #tpu.memory_space<vmem_shared>>) target(%dma_start3A_20 : memref<625x128xbf16, #tpu.memory_space<hbm>>) target_semaphore(%run_scoped3A : memref<!tpu.dma_semaphore, #tpu.memory_space<semaphore_mem>>)
      %dma_wait3A = arith.constant 0 : i32
      %dma_wait3A_23 = tpu.memref_slice %arg9[%arg0, %mul3A_14, %dma_wait3A] : memref<2x10000x128xbf16, #tpu.memory_space<hbm>> -> memref<1x625x128xbf16, #tpu.memory_space<hbm>>
      %dma_wait3A_24 = tpu.memref_squeeze %dma_wait3A_23 : memref<1x625x128xbf16, #tpu.memory_space<hbm>> -> memref<625x128xbf16, #tpu.memory_space<hbm>>
      %dma_wait3A_25 = arith.constant 0 : i32
      %dma_wait3A_26 = tpu.memref_slice %arg15[%mul3A_12, %dma_wait3A_25] : memref<10000x128xbf16, #tpu.memory_space<vmem_shared>> -> memref<625x128xbf16, #tpu.memory_space<vmem_shared>>
      tpu.wait_dma2 semaphore(%run_scoped3A : memref<!tpu.dma_semaphore, #tpu.memory_space<semaphore_mem>>) src(%dma_wait3A_26 : memref<625x128xbf16, #tpu.memory_space<vmem_shared>>) dst(%dma_wait3A_24 : memref<625x128xbf16, #tpu.memory_space<hbm>>)
      tpu.yield
    }) : () -> ()
    %mul3A_15 = arith.constant 625 : i32
    %mul3A_16 = arith.muli %arg1, %mul3A_15 : i32
    %mul3A_17 = arith.constant 625 : i32
    %mul3A_18 = arith.muli %arg1, %mul3A_17 : i32
    "tpu.region"() ({
      %run_scoped3A = tpu.sem_alloc : memref<!tpu.dma_semaphore, #tpu.memory_space<semaphore_mem>>
      %dma_start3A = arith.constant 0 : i32
      %dma_start3A_19 = tpu.memref_slice %arg10[%arg0, %mul3A_18, %dma_start3A] : memref<2x10000x16xf32, #tpu.memory_space<hbm>> -> memref<1x625x16xf32, #tpu.memory_space<hbm>>
      %dma_start3A_20 = tpu.memref_squeeze %dma_start3A_19 : memref<1x625x16xf32, #tpu.memory_space<hbm>> -> memref<625x16xf32, #tpu.memory_space<hbm>>
      %dma_start3A_21 = arith.constant 0 : i32
      %dma_start3A_22 = tpu.memref_slice %arg16[%mul3A_16, %dma_start3A_21] : memref<10000x16xf32, #tpu.memory_space<vmem_shared>> -> memref<625x16xf32, #tpu.memory_space<vmem_shared>>
      tpu.enqueue_dma source(%dma_start3A_22 : memref<625x16xf32, #tpu.memory_space<vmem_shared>>) target(%dma_start3A_20 : memref<625x16xf32, #tpu.memory_space<hbm>>) target_semaphore(%run_scoped3A : memref<!tpu.dma_semaphore, #tpu.memory_space<semaphore_mem>>)
      %dma_wait3A = arith.constant 0 : i32
      %dma_wait3A_23 = tpu.memref_slice %arg10[%arg0, %mul3A_18, %dma_wait3A] : memref<2x10000x16xf32, #tpu.memory_space<hbm>> -> memref<1x625x16xf32, #tpu.memory_space<hbm>>
      %dma_wait3A_24 = tpu.memref_squeeze %dma_wait3A_23 : memref<1x625x16xf32, #tpu.memory_space<hbm>> -> memref<625x16xf32, #tpu.memory_space<hbm>>
      %dma_wait3A_25 = arith.constant 0 : i32
      %dma_wait3A_26 = tpu.memref_slice %arg16[%mul3A_16, %dma_wait3A_25] : memref<10000x16xf32, #tpu.memory_space<vmem_shared>> -> memref<625x16xf32, #tpu.memory_space<vmem_shared>>
      tpu.wait_dma2 semaphore(%run_scoped3A : memref<!tpu.dma_semaphore, #tpu.memory_space<semaphore_mem>>) src(%dma_wait3A_26 : memref<625x16xf32, #tpu.memory_space<vmem_shared>>) dst(%dma_wait3A_24 : memref<625x16xf32, #tpu.memory_space<hbm>>)
      tpu.yield
    }) : () -> ()
    return
  }
}

module attributes {stable_mosaic.version = 14 : i64} {
  func.func @_tc_body(%arg0: i32, %arg1: memref<1x2000x128xbf16, #tpu.memory_space<vmem>>, %arg2: memref<1x2000x16xf32, #tpu.memory_space<vmem>>, %arg3: memref<2000x128xf32, #tpu.memory_space<vmem>>, %arg4: memref<128x128xf32, #tpu.memory_space<vmem>>, %arg5: memref<128x128xf32, #tpu.memory_space<vmem>>, %arg6: memref<1x128xf32, #tpu.memory_space<vmem>>, %arg7: memref<2000x128xf32, #tpu.memory_space<vmem>>) attributes {dimension_semantics = [#tpu.dimension_semantics<arbitrary>], iteration_bounds = array<i64: 5>, scalar_prefetch = 0 : i64, scratch_operands = 0 : i64, tpu.core_type = #tpu.core_type<tc>, window_params = [{transform_indices = @transform_0, window_bounds = array<i64: 1, 2000, 128>}, {transform_indices = @transform_1, window_bounds = array<i64: 1, 2000, 16>}, {transform_indices = @transform_2, window_bounds = array<i64: 2000, 128>}, {pipeline_mode = #tpu.pipeline_mode<synchronous>, transform_indices = @transform_3, window_bounds = array<i64: 128, 128>}, {pipeline_mode = #tpu.pipeline_mode<synchronous>, transform_indices = @transform_4, window_bounds = array<i64: 128, 128>}, {pipeline_mode = #tpu.pipeline_mode<synchronous>, transform_indices = @transform_5, window_bounds = array<i64: 1, 128>}, {transform_indices = @transform_6, window_bounds = array<i64: 2000, 128>}]} {
    %get3A = arith.constant 0 : index
    %get3A_0 = arith.constant 0 : index
    %get3A_1 = arith.constant 0 : index
    %get3A_2 = vector.load %arg2[%get3A, %get3A_0, %get3A_1] : memref<1x2000x16xf32, #tpu.memory_space<vmem>>, vector<1x2000x16xf32>
    %get3A_3 = vector.shape_cast %get3A_2 : vector<1x2000x16xf32> to vector<2000x16xf32>
    %reduce_max3A = arith.constant dense<0xFF800000> : vector<2000xf32>
    %reduce_max3A_4 = vector.multi_reduction <maximumf>, %get3A_3, %reduce_max3A [1] : vector<2000x16xf32> to vector<2000xf32>
    %broadcast_in_dim3A = vector.shape_cast %reduce_max3A_4 : vector<2000xf32> to vector<2000x1xf32>
    %get3A_5 = arith.constant 0 : index
    %get3A_6 = arith.constant 0 : index
    %get3A_7 = arith.constant 0 : index
    %get3A_8 = vector.load %arg1[%get3A_5, %get3A_6, %get3A_7] : memref<1x2000x128xbf16, #tpu.memory_space<vmem>>, vector<1x2000x128xbf16>
    %get3A_9 = vector.shape_cast %get3A_8 : vector<1x2000x128xbf16> to vector<2000x128xbf16>
    %convert_element_type3A = arith.extf %get3A_9 : vector<2000x128xbf16> to vector<2000x128xf32>
    %max3A = arith.constant 1.000000e+00 : f32
    %max3A_10 = vector.broadcast %max3A : f32 to vector<2000x1xf32>
    %max3A_11 = arith.maximumf %broadcast_in_dim3A, %max3A_10 : vector<2000x1xf32>
    %div3A = vector.broadcast %max3A_11 : vector<2000x1xf32> to vector<2000x128xf32>
    %div3A_12 = arith.divf %convert_element_type3A, %div3A : vector<2000x128xf32>
    %get3A_13 = arith.constant 0 : index
    %get3A_14 = arith.constant 0 : index
    %get3A_15 = vector.load %arg4[%get3A_13, %get3A_14] : memref<128x128xf32, #tpu.memory_space<vmem>>, vector<128x128xf32>
    %dot_general3A = arith.constant dense<0.000000e+00> : vector<2000x128xf32>
    %dot_general3A_16 = tpu.matmul %div3A_12, %get3A_15, %dot_general3A {dimension_numbers = #tpu.dot_dimension_numbers<[1], [0], [0], [1], [0, 0, 1, 1], [], []>, transpose_lhs_hint = false} : vector<2000x128xf32>, vector<128x128xf32>, vector<2000x128xf32> -> vector<2000x128xf32>
    %get3A_17 = arith.constant 0 : index
    %get3A_18 = arith.constant 0 : index
    %get3A_19 = vector.load %arg6[%get3A_17, %get3A_18] : memref<1x128xf32, #tpu.memory_space<vmem>>, vector<1x128xf32>
    %add3A = vector.broadcast %get3A_19 : vector<1x128xf32> to vector<2000x128xf32>
    %add3A_20 = arith.addf %dot_general3A_16, %add3A : vector<2000x128xf32>
    %get3A_21 = arith.constant 0 : index
    %get3A_22 = arith.constant 0 : index
    %get3A_23 = vector.load %arg3[%get3A_21, %get3A_22] : memref<2000x128xf32, #tpu.memory_space<vmem>>, vector<2000x128xf32>
    %get3A_24 = arith.constant 0 : index
    %get3A_25 = arith.constant 0 : index
    %get3A_26 = vector.load %arg5[%get3A_24, %get3A_25] : memref<128x128xf32, #tpu.memory_space<vmem>>, vector<128x128xf32>
    %dot_general3A_27 = arith.constant dense<0.000000e+00> : vector<2000x128xf32>
    %dot_general3A_28 = tpu.matmul %get3A_23, %get3A_26, %dot_general3A_27 {dimension_numbers = #tpu.dot_dimension_numbers<[1], [0], [0], [1], [0, 0, 1, 1], [], []>, transpose_lhs_hint = false} : vector<2000x128xf32>, vector<128x128xf32>, vector<2000x128xf32> -> vector<2000x128xf32>
    %add3A_29 = arith.addf %add3A_20, %dot_general3A_28 : vector<2000x128xf32>
    %max3A_30 = arith.constant 0.000000e+00 : f32
    %max3A_31 = vector.broadcast %max3A_30 : f32 to vector<2000x128xf32>
    %max3A_32 = arith.maximumf %add3A_29, %max3A_31 : vector<2000x128xf32>
    %swap3A = arith.constant 0 : index
    %swap3A_33 = arith.constant 0 : index
    %swap3A_34 = vector.load %arg7[%swap3A, %swap3A_33] : memref<2000x128xf32, #tpu.memory_space<vmem>>, vector<2000x128xf32>
    tpu.vector_store %arg7[%swap3A, %swap3A_33], %max3A_32 {strides = array<i32>} : memref<2000x128xf32, #tpu.memory_space<vmem>>, vector<2000x128xf32>,
    return
  }
  func.func @transform_0(%arg0: i32) -> (i32, i32, i32) {
    %c1_i32 = arith.constant 1 : i32
    %c0_i32 = arith.constant 0 : i32
    %c0_i32_0 = arith.constant 0 : i32
    return %c1_i32, %arg0, %c0_i32 : i32, i32, i32
  }
  func.func @transform_1(%arg0: i32) -> (i32, i32, i32) {
    %c1_i32 = arith.constant 1 : i32
    %c0_i32 = arith.constant 0 : i32
    %c0_i32_0 = arith.constant 0 : i32
    return %c1_i32, %arg0, %c0_i32 : i32, i32, i32
  }
  func.func @transform_2(%arg0: i32) -> (i32, i32) {
    %c0_i32 = arith.constant 0 : i32
    %c0_i32_0 = arith.constant 0 : i32
    return %arg0, %c0_i32 : i32, i32
  }
  func.func @transform_3(%arg0: i32) -> (i32, i32) {
    %c0_i32 = arith.constant 0 : i32
    %c0_i32_0 = arith.constant 0 : i32
    %c0_i32_1 = arith.constant 0 : i32
    return %c0_i32, %c0_i32_0 : i32, i32
  }
  func.func @transform_4(%arg0: i32) -> (i32, i32) {
    %c0_i32 = arith.constant 0 : i32
    %c0_i32_0 = arith.constant 0 : i32
    %c0_i32_1 = arith.constant 0 : i32
    return %c0_i32, %c0_i32_0 : i32, i32
  }
  func.func @transform_5(%arg0: i32) -> (i32, i32) {
    %c0_i32 = arith.constant 0 : i32
    %c0_i32_0 = arith.constant 0 : i32
    %c0_i32_1 = arith.constant 0 : i32
    return %c0_i32, %c0_i32_0 : i32, i32
  }
  func.func @transform_6(%arg0: i32) -> (i32, i32) {
    %c0_i32 = arith.constant 0 : i32
    %c0_i32_0 = arith.constant 0 : i32
    return %arg0, %c0_i32 : i32, i32
  }
}

module attributes {stable_mosaic.version = 14 : i64} {
  func.func @_tc_body(%arg0: i32, %arg1: memref<1x2000x128xbf16, #tpu.memory_space<vmem>>, %arg2: memref<1x2000x16xf32, #tpu.memory_space<vmem>>, %arg3: memref<2000x128xf32, #tpu.memory_space<vmem>>, %arg4: memref<128x128xf32, #tpu.memory_space<vmem>>, %arg5: memref<128x128xf32, #tpu.memory_space<vmem>>, %arg6: memref<1x128xf32, #tpu.memory_space<vmem>>, %arg7: memref<2000x128xf32, #tpu.memory_space<vmem>>) attributes {dimension_semantics = [#tpu.dimension_semantics<arbitrary>], iteration_bounds = array<i64: 5>, scalar_prefetch = 0 : i64, scratch_operands = 0 : i64, tpu.core_type = #tpu.core_type<tc>, window_params = [{transform_indices = @transform_0, window_bounds = array<i64: 1, 2000, 128>}, {transform_indices = @transform_1, window_bounds = array<i64: 1, 2000, 16>}, {transform_indices = @transform_2, window_bounds = array<i64: 2000, 128>}, {pipeline_mode = #tpu.pipeline_mode<synchronous>, transform_indices = @transform_3, window_bounds = array<i64: 128, 128>}, {pipeline_mode = #tpu.pipeline_mode<synchronous>, transform_indices = @transform_4, window_bounds = array<i64: 128, 128>}, {pipeline_mode = #tpu.pipeline_mode<synchronous>, transform_indices = @transform_5, window_bounds = array<i64: 1, 128>}, {transform_indices = @transform_6, window_bounds = array<i64: 2000, 128>}]} {
    %get3A = arith.constant 0 : index
    %get3A_0 = arith.constant 0 : index
    %get3A_1 = arith.constant 0 : index
    %get3A_2 = vector.load %arg2[%get3A, %get3A_0, %get3A_1] : memref<1x2000x16xf32, #tpu.memory_space<vmem>>, vector<1x2000x16xf32>
    %get3A_3 = vector.shape_cast %get3A_2 : vector<1x2000x16xf32> to vector<2000x16xf32>
    %reduce_max3A = arith.constant dense<0xFF800000> : vector<2000xf32>
    %reduce_max3A_4 = vector.multi_reduction <maximumf>, %get3A_3, %reduce_max3A [1] : vector<2000x16xf32> to vector<2000xf32>
    %broadcast_in_dim3A = vector.shape_cast %reduce_max3A_4 : vector<2000xf32> to vector<2000x1xf32>
    %get3A_5 = arith.constant 0 : index
    %get3A_6 = arith.constant 0 : index
    %get3A_7 = arith.constant 0 : index
    %get3A_8 = vector.load %arg1[%get3A_5, %get3A_6, %get3A_7] : memref<1x2000x128xbf16, #tpu.memory_space<vmem>>, vector<1x2000x128xbf16>
    %get3A_9 = vector.shape_cast %get3A_8 : vector<1x2000x128xbf16> to vector<2000x128xbf16>
    %convert_element_type3A = arith.extf %get3A_9 : vector<2000x128xbf16> to vector<2000x128xf32>
    %max3A = arith.constant 1.000000e+00 : f32
    %max3A_10 = vector.broadcast %max3A : f32 to vector<2000x1xf32>
    %max3A_11 = arith.maximumf %broadcast_in_dim3A, %max3A_10 : vector<2000x1xf32>
    %div3A = vector.broadcast %max3A_11 : vector<2000x1xf32> to vector<2000x128xf32>
    %div3A_12 = arith.divf %convert_element_type3A, %div3A : vector<2000x128xf32>
    %get3A_13 = arith.constant 0 : index
    %get3A_14 = arith.constant 0 : index
    %get3A_15 = vector.load %arg4[%get3A_13, %get3A_14] : memref<128x128xf32, #tpu.memory_space<vmem>>, vector<128x128xf32>
    %dot_general3A = arith.constant dense<0.000000e+00> : vector<2000x128xf32>
    %dot_general3A_16 = tpu.matmul %div3A_12, %get3A_15, %dot_general3A {dimension_numbers = #tpu.dot_dimension_numbers<[1], [0], [0], [1], [0, 0, 1, 1], [], []>, transpose_lhs_hint = false} : vector<2000x128xf32>, vector<128x128xf32>, vector<2000x128xf32> -> vector<2000x128xf32>
    %get3A_17 = arith.constant 0 : index
    %get3A_18 = arith.constant 0 : index
    %get3A_19 = vector.load %arg6[%get3A_17, %get3A_18] : memref<1x128xf32, #tpu.memory_space<vmem>>, vector<1x128xf32>
    %add3A = vector.broadcast %get3A_19 : vector<1x128xf32> to vector<2000x128xf32>
    %add3A_20 = arith.addf %dot_general3A_16, %add3A : vector<2000x128xf32>
    %get3A_21 = arith.constant 0 : index
    %get3A_22 = arith.constant 0 : index
    %get3A_23 = vector.load %arg3[%get3A_21, %get3A_22] : memref<2000x128xf32, #tpu.memory_space<vmem>>, vector<2000x128xf32>
    %get3A_24 = arith.constant 0 : index
    %get3A_25 = arith.constant 0 : index
    %get3A_26 = vector.load %arg5[%get3A_24, %get3A_25] : memref<128x128xf32, #tpu.memory_space<vmem>>, vector<128x128xf32>
    %dot_general3A_27 = arith.constant dense<0.000000e+00> : vector<2000x128xf32>
    %dot_general3A_28 = tpu.matmul %get3A_23, %get3A_26, %dot_general3A_27 {dimension_numbers = #tpu.dot_dimension_numbers<[1], [0], [0], [1], [0, 0, 1, 1], [], []>, transpose_lhs_hint = false} : vector<2000x128xf32>, vector<128x128xf32>, vector<2000x128xf32> -> vector<2000x128xf32>
    %add3A_29 = arith.addf %add3A_20, %dot_general3A_28 : vector<2000x128xf32>
    %max3A_30 = arith.constant 0.000000e+00 : f32
    %max3A_31 = vector.broadcast %max3A_30 : f32 to vector<2000x128xf32>
    %max3A_32 = arith.maximumf %add3A_29, %max3A_31 : vector<2000x128xf32>
    %swap3A = arith.constant 0 : index
    %swap3A_33 = arith.constant 0 : index
    %swap3A_34 = vector.load %arg7[%swap3A, %swap3A_33] : memref<2000x128xf32, #tpu.memory_space<vmem>>, vector<2000x128xf32>
    tpu.vector_store %arg7[%swap3A, %swap3A_33], %max3A_32 {strides = array<i32>} : memref<2000x128xf32, #tpu.memory_space<vmem>>, vector<2000x128xf32>,
    return
  }
  func.func @transform_0(%arg0: i32) -> (i32, i32, i32) {
    %c0_i32 = arith.constant 0 : i32
    %c0_i32_0 = arith.constant 0 : i32
    %c0_i32_1 = arith.constant 0 : i32
    return %c0_i32, %arg0, %c0_i32_0 : i32, i32, i32
  }
  func.func @transform_1(%arg0: i32) -> (i32, i32, i32) {
    %c0_i32 = arith.constant 0 : i32
    %c0_i32_0 = arith.constant 0 : i32
    %c0_i32_1 = arith.constant 0 : i32
    return %c0_i32, %arg0, %c0_i32_0 : i32, i32, i32
  }
  func.func @transform_2(%arg0: i32) -> (i32, i32) {
    %c0_i32 = arith.constant 0 : i32
    %c0_i32_0 = arith.constant 0 : i32
    return %arg0, %c0_i32 : i32, i32
  }
  func.func @transform_3(%arg0: i32) -> (i32, i32) {
    %c0_i32 = arith.constant 0 : i32
    %c0_i32_0 = arith.constant 0 : i32
    %c0_i32_1 = arith.constant 0 : i32
    return %c0_i32, %c0_i32_0 : i32, i32
  }
  func.func @transform_4(%arg0: i32) -> (i32, i32) {
    %c0_i32 = arith.constant 0 : i32
    %c0_i32_0 = arith.constant 0 : i32
    %c0_i32_1 = arith.constant 0 : i32
    return %c0_i32, %c0_i32_0 : i32, i32
  }
  func.func @transform_5(%arg0: i32) -> (i32, i32) {
    %c0_i32 = arith.constant 0 : i32
    %c0_i32_0 = arith.constant 0 : i32
    %c0_i32_1 = arith.constant 0 : i32
    return %c0_i32, %c0_i32_0 : i32, i32
  }
  func.func @transform_6(%arg0: i32) -> (i32, i32) {
    %c0_i32 = arith.constant 0 : i32
    %c0_i32_0 = arith.constant 0 : i32
    return %arg0, %c0_i32 : i32, i32
  }
}

</mosaic_0001>

<sc_bundles>
// kernel: kernel.5.cloned.1.call-start
scs
__scs_entry_jumppad:
0x0: {  	(pc) =	sbr.rel $0x88, $3  }
0x1: {  	(tag) =	ssettag $0x0;
	lr =	simm.s32 $0x1  }
0x2: {  	[smem:$0x3F9A] =	sst lr;
	_ =	strace $0xD0000000  }
0x3: {  	_ = 	snop  }
0x4: {  	_ = 	snop  }
0x5: {  	_ = 	snop  }
0x6: {  	_ = 	snop  }
0x7: {  	_ = 	snop  }
__scs_overlays_trampoline_lowered:
0x8: {  	[smem:$0x3FA9] =	sst s0  }
0x9: {  	[smem:$0x3FAA] =	sst s1  }
0xa: {  	[smem:$0x3FAB] =	sst s2  }
0xb: {  	[smem:$0x3FAC] =	sst s3  }
0xc: {  	[smem:$0x3FAD] =	sst s4  }
0xd: {  	[smem:$0x3FAE] =	sst s5  }
0xe: {  	[smem:$0x3FAF] =	sst s6  }
0xf: {  	[smem:$0x3FB0] =	sst s7  }
0x10: {  	[smem:$0x3FB1] =	sst s8  }
0x11: {  	[smem:$0x3FB2] =	sst s9;
	s0 =	simm.s32 @!p0 $0x0  }
0x12: {  	s1 =	sld [smem:$0x3F98];
	s0 =	simm.s32 @p0 $0x1  }
0x13: {  	[smem:$0x3FB3] =	sst s0;
	s0 =	simm.s32 @!p1 $0x0  }
0x14: {  	s2 =	sld [smem:$0x3F97];
	s0 =	simm.s32 @p1 $0x1  }
0x15: {  	[smem:$0x3FB4] =	sst s0;
	s0 =	simm.s32 @!p2 $0x0  }
0x16: {  	s3 =	sld [smem:$0x3FDB];
	s0 =	simm.s32 @p2 $0x1  }
0x17: {  	s4 =	simm.s32 $0x1BF5;
	[smem:$0x3FB6] =	sst s0  }
0x18: {  	s0 =	sld [smem:$0x3F99];
	_ =	swait.ge [sflag:s4], $0x0  }
0x19: {  	s7 =	sld [smem:$0x3F9A]  }
0x1a: {  	s8 =	sadd.s32 $0xFFFFE003, lr  }
0x1b: {  	s9 =	sadd.s32 $0xFFFFFEF7, lr;
	s5 =	simm.s32 $0xFFFFFFFF;
	p2 =	slt.u32 s8, $0xFFFFF086  }
0x1c: {  	p1 =	slt.u32 s9, $0xF7A;
	s5 =	simm.s32 @!p2 $0x0  }
0x1d: {  	s5 =	simm.s32 @p1 $0x1;
	p0 =	seq.s32 s7, s2  }
0x1e: {  	s7 =	smul.u32 @!p0 $0xF7A, s2;
	p2 =	seq.s32 @!p0 s5, $0x0  }
0x1f: {  	s9 =	smul.u32 $0xF7A, s1;
	s8 =	simm.s32 @!p0 $0x1BF5;
	p2 =	por !p2, p0  }
0x20: {  	[sflag:s8] =	ssyncset.s32 @!p0 $0xFFFFF086;
	s6 =	sadd.s32 @!p0 s3, s7;
	s7 =	simm.s32 @!p0 $0x108  }
0x21: {  	s3 =	sadd.s32 s3, s9;
	s6 =	sadd.s32 @!p0 $0x88, s6;
	s7 =	simm.s32 @p2 $0x1082  }
0x22: {  	[simem:s7], [sflag:s8] =	dma.local @!p0 [hbm:s6], $0xF7A  }
0x23: {  	s9 =	sor.u32 $0xD0000000, s2;
	s6 =	simm.s32 $0x108;
	_ =	swait.ge @!p0 [sflag:s8], $0x0  }
0x24: {  	s3 =	sadd.s32 $0x88, s3;
	s6 =	simm.s32 @!p1 $0x1082;
	[sflag:s4] =	ssyncset.s32 $0xFFFFF086  }
0x25: {  	[simem:s6], [sflag:s4] =	dma.local [hbm:s3], $0xF7A  }
0x26: {  	[smem:$0x3F9A] =	sst s1;
	(tag) =	ssettag s2;
	_ =	strace s9  }
0x27: {  	s1 =	sld [smem:$0x3FAA]  }
0x28: {  	s2 =	sld [smem:$0x3FAB]  }
0x29: {  	s4 =	sld [smem:$0x3FAD]  }
0x2a: {  	p0 =	seq.s32 s5, $0x0;
	s5 =	sld [smem:$0x3FAE]  }
0x2b: {  	s6 =	sld [smem:$0x3FAF]  }
0x2c: {  	s7 =	sld [smem:$0x3FB0]  }
0x2d: {  	s3 =	simm.s32 $0x108;
	s8 =	sld [smem:$0x3FB1]  }
0x2e: {  	s3 =	simm.s32 @!p0 $0x1082;
	s9 =	sld [smem:$0x3FB2]  }
0x2f: {  	lr =	sadd.s32 s0, s3;
	s0 =	sld [smem:$0x3FA9]  }
0x30: {  	s3 =	sld [smem:$0x3FAC]  }
0x31: {  	[smem:$0x3FB5] =	sst s10  }
0x32: {  	s10 =	sld [smem:$0x3FB3];
	_ =	sdelay $0x3  }
0x33: {  	p0 =	seq.s32 s10, $0x1;
	s10 =	sld [smem:$0x3FB5];
	_ =	sdelay $0x3  }
0x34: {  	[smem:$0x3FB5] =	sst s10  }
0x35: {  	s10 =	sld [smem:$0x3FB4];
	_ =	sdelay $0x3  }
0x36: {  	p1 =	seq.s32 s10, $0x1;
	s10 =	sld [smem:$0x3FB5];
	_ =	sdelay $0x3  }
0x37: {  	[smem:$0x3FB5] =	sst s10  }
0x38: {  	s10 =	sld [smem:$0x3FB6]  }
0x39: {  	_ = 	snop;
	(pc) =	sbr.ind lr, $3  }
0x3a: {  	_ = 	snop  }
0x3b: {  	_ = 	snop  }
0x3c: {  	p2 =	seq.s32 s10, $0x1;
	s10 =	sld [smem:$0x3FB5]  }
0x3d: {  	_ =	shalt  }
0x3e: {  	_ =	shalt  }
0x3f: {  	_ =	shalt  }
0x40: {  	_ =	shalt  }
0x41: {  	_ =	shalt  }
0x42: {  	_ =	shalt  }
0x43: {  	_ =	shalt  }
0x44: {  	_ =	shalt  }
0x45: {  	_ =	shalt  }
0x46: {  	_ =	shalt  }
0x47: {  	_ =	shalt  }
0x48: {  	_ =	shalt  }
0x49: {  	_ =	shalt  }
0x4a: {  	_ =	shalt  }
0x4b: {  	_ =	shalt  }
0x4c: {  	_ =	shalt  }
0x4d: {  	_ =	shalt  }
0x4e: {  	_ =	shalt  }
0x4f: {  	_ =	shalt  }
0x50: {  	_ =	shalt  }
0x51: {  	_ =	shalt  }
0x52: {  	_ =	shalt  }
0x53: {  	_ =	shalt  }
0x54: {  	_ =	shalt  }
0x55: {  	_ =	shalt  }
0x56: {  	_ =	shalt  }
0x57: {  	_ =	shalt  }
0x58: {  	_ =	shalt  }
0x59: {  	_ =	shalt  }
0x5a: {  	_ =	shalt  }
0x5b: {  	_ =	shalt  }
0x5c: {  	_ =	shalt  }
0x5d: {  	_ =	shalt  }
0x5e: {  	_ =	shalt  }
0x5f: {  	_ =	shalt  }
0x60: {  	_ =	shalt  }
0x61: {  	_ =	shalt  }
0x62: {  	_ =	shalt  }
0x63: {  	_ =	shalt  }
0x64: {  	_ =	shalt  }
0x65: {  	_ =	shalt  }
0x66: {  	_ =	shalt  }
0x67: {  	_ =	shalt  }
0x68: {  	_ =	shalt  }
0x69: {  	_ =	shalt  }
0x6a: {  	_ =	shalt  }
0x6b: {  	_ =	shalt  }
0x6c: {  	_ =	shalt  }
0x6d: {  	_ =	shalt  }
0x6e: {  	_ =	shalt  }
0x6f: {  	_ =	shalt  }
0x70: {  	_ =	shalt  }
0x71: {  	_ =	shalt  }
0x72: {  	_ =	shalt  }
0x73: {  	_ =	shalt  }
0x74: {  	_ =	shalt  }
0x75: {  	_ =	shalt  }
0x76: {  	_ =	shalt  }
0x77: {  	_ =	shalt  }
0x78: {  	_ =	shalt  }
0x79: {  	_ =	shalt  }
0x7a: {  	_ =	shalt  }
0x7b: {  	_ =	shalt  }
0x7c: {  	_ =	shalt  }
0x7d: {  	_ =	shalt  }
0x7e: {  	_ =	shalt  }
0x7f: {  	_ =	shalt  }
0x80: {  	_ =	shalt  }
0x81: {  	_ =	shalt  }
0x82: {  	_ =	shalt  }
0x83: {  	_ =	shalt  }
0x84: {  	_ =	shalt  }
0x85: {  	_ =	shalt  }
0x86: {  	_ =	shalt  }
0x87: {  	_ =	shalt  }
.Lfunc_end0:
.L_simem_size_0:
called_computation_lowered:
.L_overlay_start_0:
0x88: {  	s2 =	sld [smem:$0x3FD9]  }
0x89: {  	s3 =	sld [smem:$0x3FFE];
	_ =	sdelay $0x1  }
0x8a: {  	s1 =	srdreg.scid  }
0x8b: {  	s0 =	sand.u32 $0x1, s1  }
0x8c: {  	s14 =	sshll.u32 s0, $0xA;
	s2 =	sadd.s32 s3, s2  }
0x8d: {  	s2 =	sadd.s32 s2, s14  }
0x8e: {  	[smem:$0x3FC1] =	sst s2  }
0x8f: {  	_ = 	snop  }
0x90: {  	s2 =	sld [smem:$0x3FD0];
	_ =	sdelay $0x2  }
0x91: {  	s15 =	simm.s32 $0xA;
	s4 =	simm.s32 $0x10  }
0x92: {  	[smem:s4], [sflag:s15] =	dma.local [hbm:s2], $0x1  }
0x93: {  	_ =	swait.eq [sflag:s15], $0x1  }
0x94: {  	[sflag:s15] =	ssyncset.done $0x0  }
0x95: {  	s16 =	sld [smem:$0x10];
	[sflag:s15] =	ssyncadd.s32 $0xFFFFFFFF  }
0x96: {  	s17 =	sld [smem:$0x11];
	(tm) =	ssettm $0x1  }
0x97: {  	s18 =	sld [smem:$0x3FFB];
	_ =	sdelay $0x3  }
0x98: {  	_ =	strace s18  }
0x99: {  	s4 =	sld [smem:$0x3FFC];
	_ =	sdelay $0x3  }
0x9a: {  	_ =	strace s4  }
0x9b: {  	s4 =	sld [smem:$0x3FFD];
	_ =	sdelay $0x3  }
0x9c: {  	_ =	strace s4  }
0x9d: {  	_ =	strace $0x8FFFFFFF  }
0x9e: {  	s19 =	sld [smem:$0x3FDB];
	_ =	sdelay $0x1  }
0x9f: {  	s5 =	simm.s32 $_scs_section_size  }
0xa0: {  	s6 =	simm.s32 $_size__tile_overlayer_lowered;
	s7 =	simm.s32 $_tile_overlayer_lowered  }
0xa1: {  	s22 =	simm.s32 $0x1BFF;
	s21 =	sshll.u32 s7, $0x1;
	s4 =	sadd.s32 s5, s19  }
0xa2: {  	s8 =	simm.s32 $0x0;
	s20 =	sshll.u32 s6, $0x1;
	s6 =	sadd.s32 s21, s4  }
0xa3: {  	[timem:s8], [sflag:s22] =	dma.local [hbm:s6], s20  }
0xa4: {  	_ =	swait.ge [sflag:s22], s20  }
0xa5: {  	s5 =	ssub.s32 $0x0, s20;
	[sflag:s22] =	ssyncset.done $0x0  }
0xa6: {  	[sflag:s22] =	ssyncadd.s32 s5;
	_ =	sdelay $0x1  }
0xa7: {  	s23 =	simm.s32 $0x1B8B  }
0xa8: {  	_ =	swait.ge [sflag:s23], $0x1  }
0xa9: {  	[sflag:s23] =	ssyncset.done $0x0  }
0xaa: {  	s25 =	simm.s32 $0x1B8E;
	s24 =	sld [smem:$0x3FFE];
	[sflag:s23] =	ssyncadd.s32 $0xFFFFFFFF  }
0xab: {  	s26 =	simm.s32 $execute0_lowered;
	[smem:$0x3FD2] =	sst s25  }
0xac: {  	s6 =	sshll.u32 s26, $0x1;
	_ =	strace $0x80000046;
	[dreg:$0x1] =	wrdreg $0xFFFFFFFF  }
0xad: {  	s28 =	simm.s32 $_size_execute0_lowered;
	s4 =	sadd.s32 s4, s6;
	[dreg:$0x0] =	wrdreg $0x0  }
0xae: {  	s6 =	sshll.u32 s28, $0x1;
	[dreg:$0x2] =	wrdreg s4  }
0xaf: {  	[dreg:$0x3] =	wrdreg s6  }
0xb0: {  	[dreg:$0x4] =	wrdreg $0xC0  }
0xb1: {  	_ =	task [dreg:s8], $0x5FFFF  }
0xb2: {  	[dreg:$0x1] =	wrdreg $0xFFFFFFFF  }
0xb3: {  	[dreg:$0x0] =	wrdreg $0x60  }
0xb4: {  	[dreg:$0x2] =	wrdreg s16  }
0xb5: {  	[dreg:$0x3] =	wrdreg s24  }
0xb6: {  	[dreg:$0x4] =	wrdreg s17  }
0xb7: {  	[dreg:$0x5] =	wrdreg $0x9C400  }
0xb8: {  	[dreg:$0x6] =	wrdreg $0x138800  }
0xb9: {  	[dreg:$0x7] =	wrdreg $0x9  }
0xba: {  	_ =	task.clear_ibuf [dreg:s8], $0x8FFFF;
	_ =	strace $0x90000046  }
0xbb: {  	s29 =	simm.s32 $0x9;
	_ =	strace $0x80000048  }
0xbc: {  	_ =	swait.ge [sflag:s29], $0x1  }
0xbd: {  	[sflag:s29] =	ssyncadd.s32 $0xFFFFFFFF  }
0xbe: {  	_ =	strace $0x90000048  }
0xbf: {  	_ =	sfence  }
0xc0: {  	s30 =	sld [smem:$0x0];
	_ =	sdelay $0x2  }
0xc1: {  	s31 =	sshll.u32 s1, $0xD;
	s1 =	sshrl.u32 s1, $0x2  }
0xc2: {  	s3 =	sand.u32 $0x4000, s31;
	s1 =	sadd.s32 s1, s30  }
0xc3: {  	s0 =	sor.u32 s3, s0;
	s1 =	sshll.u32 s1, $0x11  }
0xc4: {  	s0 =	sor.u32 s1, s0  }
0xc5: {  	s0 =	sadd.s32 $0x8F2B, s0  }
0xc6: {  	[sflag:s0] =	ssyncadd.remote.s32 $0x1  }
0xc7: {  	_ =	sfence.sel $0xFFFF  }
0xc8: {  	[dreg:$0x0] =	wrdreg $0xFFFFFFFF;
	(pc) =	sbr.abs _section_cstart, $3  }
0xc9: {  	[dreg:$0x1] =	wrdreg $0xFFFFFFFF  }
0xca: {  	_ =	task.clear_ibuf [dreg:s8], $0x2FFFF;
	_ =	strace $0x9FFFFFFF  }
0xcb: {  	(tm) =	ssettm $0x7FFFFFFF  }
tec
execute0_lowered:
.L_overlay_start_1:
0x0: {  	(tag) =	ssettag $0x1  }
0x1: {  	s1 =	rddreg [dreg:$0x0]  }
0x2: {  	s0 =	rddreg [dreg:$0x1]  }
0x3: {  	s3 =	rddreg [dreg:$0x2]  }
0x4: {  	s2 =	rddreg [dreg:$0x3]  }
0x5: {  	s4 =	rddreg [dreg:$0x4]  }
0x6: {  	s5 =	simm.s32 $0x0;
	s6 =	srdreg.scid;
	s9 =	stileid.u32  }
0x7: {  	s28 =	simm.s32 $0x9740;
	s29 =	simm.s32 $0x3;
	s31 =	simm.s32 $0x2  }
0x8: {  	[smem:$0x7FF] =	sst s5;
	s15 =	sand.u32 $0x1, s6;
	s13 =	smul.u32 $0x2710, s9  }
0x9: {  	s6 =	sadd.s32 $0x3E00, s0;
	s7 =	sadd.s32 $0x17800, s0;
	s8 =	sadd.s32 $0x2B200, s0  }
0xa: {  	s10 =	sadd.s32 $0x2A00, s0;
	s24 =	sadd.s32 $0x3EE00, s0;
	s16 =	smul.u32 $0x13880, s9  }
0xb: {  	s18 =	smul.u32 $0x4E20, s9;
	_ =	strace $0x80000047;
	[dreg:$0x6] =	wrdreg s10  }
0xc: {  	s25 =	sadd.s32 $0x3EC00, s0;
	s11 =	smul.u32 $0x27100, s15;
	[dreg:$0x7] =	wrdreg s24  }
0xd: {  	s14 =	ssub.s32 $0x2, s15;
	[dreg:$0x8] =	wrdreg s25;
	s20 =	smul.u32 $0x4E200, s15  }
0xe: {  	p0 =	seq.s32 s15, $0x1;
	s15 =	smul.u32 $0x138800, s15;
	s26 =	sshrl.u32 s14, $0x1  }
0xf: {  	s30 =	sshrl.u32 s16, $0x1;
	s19 =	sshrl.u32 s18, $0x3;
	s11 =	sadd.s32 s13, s11  }
0x10: {  	s17 =	ssub.s32 s14, s26;
	s13 =	sadd.s32 s13, s4;
	s14 =	sadd.s32 $0x7D0, s18  }
0x11: {  	s10 =	sadd.s32 s7, s19;
	s18 =	sadd.s32 s18, s20;
	s15 =	sadd.s32 s16, s15  }
0x12: {  	s12 =	sshrl.u32 s11, $0x3;
	[dreg:$0x9] =	wrdreg s10;
	s21 =	sshrl.u32 s14, $0x3  }
0x13: {  	s11 =	sadd.s32 s8, s19;
	s23 =	sshrl.u32 s18, $0x3;
	s20 =	sadd.s32 $0x7D0, s18  }
0x14: {  	s15 =	sshrl.u32 s15, $0x4;
	[dreg:$0xa] =	wrdreg s11;
	s19 =	sadd.s32 s7, s21  }
0x15: {  	s0 =	sadd.s32 s12, s0;
	s22 =	sadd.s32 s8, s21;
	[dreg:$0xb] =	wrdreg s19  }
0x16: {  	s12 =	sadd.s32 s30, s2;
	s24 =	sadd.s32 s7, s23;
	[dreg:$0xc] =	wrdreg s22  }
.Ltmp0:
0x17: {  	s25 =	sadd.s32 s8, s23;
	[dreg:$0xd] =	wrdreg s24;
	(pc) =	sbr.rel .LBB2_1-.Ltmp0, $4  }
0x18: {  	s26 =	sshrl.u32 s20, $0x3;
	[dreg:$0xe] =	wrdreg s25;
	s22 =	sadd.s32 s3, s15  }
0x19: {  	s30 =	sadd.s32 s7, s26;
	s3 =	sadd.s32 s8, s26;
	s25 =	sadd.s32 $0x3F400, s0  }
0x1a: {  	s26 =	smax.u32 s17, $0x1;
	s15 =	simm.s32 $0x50;
	[dreg:$0xf] =	wrdreg s30  }
0x1b: {  	s24 =	simm.s32 $0x0;
	[dreg:$0x10] =	wrdreg s3;
	s3 =	simm.s32 $0x1  }
.LBB2_14:
0x1c: {  	[bflag:$0x0] =	sbarrier.arrive $0xFFFF  }
0x1d: {  	[hbm:s22], [sflag:s16] =	dma.local [spmem:s17], $0x1388  }
0x1e: {  	s24 =	sadd.s32 $0x1, s24;
	_ =	swait.ge [sflag:s29], $0x1388  }
0x1f: {  	p1 =	sne.s32 s24, s26;
	[sflag:s29] =	ssyncset.done $0x0  }
.Ltmp1:
0x20: {  	[sflag:s29] =	ssyncadd.s32 $0xFFFFEC78;
	(pc) =	sbr.rel @!p1 .LBB2_15-.Ltmp1, $4  }
0x21: {  	[hbm:s25], [sflag:s16] =	dma.local [spmem:s18], $0x4E2  }
0x22: {  	_ =	swait.ge [sflag:s29], $0x4E2  }
0x23: {  	[sflag:s29] =	ssyncset.done $0x0  }
0x24: {  	[sflag:s29] =	ssyncadd.s32 $0xFFFFFB1E  }
.LBB2_1:
0x25: {  	s0 =	rddreg [dreg:$0x8]  }
0x26: {  	[tilespmem:s28], [sflag:$0x3] =	stream.linear.gather [hbm4b:s0+s5], $0x500, $0x38;
	[tilespmem:$0x15F90] =	vst v63  }
0x27: {  	s21 =	stileid.u32;
	_ =	swait.ge [sflag:s29], $0x500  }
0x28: {  	s17 =	sshrl.u32 s12, $0x3;
	s0 =	sshll.u32 s21, $0x6;
	[sflag:s29] =	ssyncset.done $0x0  }
0x29: {  	s16 =	sor.u32 $0x1C03, s0;
	s23 =	rddreg [dreg:$0x6];
	[sflag:s29] =	ssyncadd.s32 $0xFFFFFB00  }
0x2a: {  	[spmem:s17], [sflag:s16] =	dma.local [hbm:s23], $0x1388  }
0x2b: {  	_ =	swait.ge [sflag:s29], $0x1388  }
0x2c: {  	[sflag:s29] =	ssyncset.done $0x0  }
0x2d: {  	s18 =	sshrl.u32 s13, $0x3;
	s30 =	rddreg [dreg:$0x7];
	[sflag:s29] =	ssyncadd.s32 $0xFFFFEC78  }
0x2e: {  	[spmem:s18], [sflag:s16] =	dma.local [hbm:s30], $0x4E2  }
.Ltmp2:
0x2f: {  	_ =	swait.ge [sflag:s29], $0x4E2;
	(pc) =	sbr.rel @!p0 .LBB2_2-.Ltmp2, $3  }
0x30: {  	[sflag:s29] =	ssyncset.done $0x0  }
0x31: {  	[sflag:s29] =	ssyncadd.s32 $0xFFFFFB1E  }
0x32: {  	[bflag:$0x0] =	sbarrier.arrive $0xFFFF;
	_ =	sdelay $0x1  }
0x33: {  	s0 =	rddreg [dreg:$0xd]  }
0x34: {  	[tilespmem:s5], [sflag:$0x2] =	stream.linear.gather [hbm4b:s0+s5], $0x7D0, $0x38;
	[tilespmem:$0x15F90] =	vst v63  }
0x35: {  	s10 =	rddreg [dreg:$0xe];
	s9 =	simm.s32 $0xFA0  }
0x36: {  	[tilespmem:s9], [sflag:$0x2] =	stream.linear.gather [hbm4b:s10+s5], $0x7D0, $0x38;
	[tilespmem:$0x15F90] =	vst v63  }
0x37: {  	_ =	swait.ge [sflag:s31], $0x7D0  }
0x38: {  	[sflag:s31] =	ssyncset.done $0x0  }
0x39: {  	[sflag:s31] =	ssyncadd.s32 $0xFFFFF830  }
0x3a: {  	_ =	swait.ge [sflag:s31], $0x7D0  }
0x3b: {  	[sflag:s31] =	ssyncset.done $0x0  }
0x3c: {  	s19 =	simm.s32 $0x7D0;
	s11 =	rddreg [dreg:$0xf];
	[sflag:s31] =	ssyncadd.s32 $0xFFFFF830  }
0x3d: {  	[tilespmem:s19], [sflag:$0x2] =	stream.linear.gather [hbm4b:s11+s5], $0x7D0, $0x38;
	[tilespmem:$0x15F90] =	vst v63  }
0x3e: {  	s23 =	simm.s32 $0x1770;
	s21 =	rddreg [dreg:$0x10]  }
0x3f: {  	[tilespmem:s23], [sflag:$0x2] =	stream.linear.gather [hbm4b:s21+s5], $0x7D0, $0x38;
	[tilespmem:$0x15F90] =	vst v63  }
0x40: {  	s30 =	simm.s32 $0x1F40  }
0x41: {  	[tilespmem:s30], [sflag:$0x1] =	stream.indirect.gather [hbm4b:s6+s15], $0x40, s5, s15, $0xb8;
	[tilespmem:$0x15F90] =	vst v63  }
0x42: {  	s9 =	simm.s32 $0x3340  }
0x43: {  	[tilespmem:s9], [sflag:$0x1] =	stream.indirect.gather [hbm4b:s6+s15], $0x40, s15, s15, $0xb8;
	[tilespmem:$0x15F90] =	vst v63  }
0x44: {  	s10 =	simm.s32 $0xA0;
	s11 =	simm.s32 $0x4740  }
0x45: {  	[tilespmem:s11], [sflag:$0x1] =	stream.indirect.gather [hbm4b:s6+s15], $0x40, s10, s15, $0xb8;
	[tilespmem:$0x15F90] =	vst v63  }
.Ltmp3:
0x46: {  	_ = 	snop;
	(pc) =	sbr.rel .LBB2_9-.Ltmp3, $4  }
0x47: {  	s19 =	simm.s32 $0xF0;
	s21 =	simm.s32 $0x5B40  }
0x48: {  	[tilespmem:s21], [sflag:$0x1] =	stream.indirect.gather [hbm4b:s6+s15], $0x40, s19, s15, $0xb8;
	[tilespmem:$0x15F90] =	vst v63  }
0x49: {  	s23 =	simm.s32 $0x140;
	s30 =	simm.s32 $0x6F40;
	s19 =	simm.s32 $0xFFFFFFFF  }
0x4a: {  	[tilespmem:s30], [sflag:$0x1] =	stream.indirect.gather [hbm4b:s6+s15], $0x40, s23, s15, $0xb8;
	[tilespmem:$0x15F90] =	vst v63  }
.LBB2_10:
0x4b: {  	s0 =	smul.u32 $0x7D0, s0;
	_ =	sdelay $0x1  }
0x4c: {  	s9 =	sxor.u32 $0x1, s30;
	s0 =	sadd.s32 s0, s20  }
0x4d: {  	s9 =	smul.u32 $0x7D0, s9;
	s0 =	sshrl.u32 s0, $0x3  }
0x4e: {  	s10 =	sadd.s32 s7, s0  }
0x4f: {  	[tilespmem:s9], [sflag:$0x2] =	stream.linear.gather [hbm4b:s10+s5], $0x7D0, $0x38;
	[tilespmem:$0x15F90] =	vst v63  }
0x50: {  	s0 =	sadd.s32 s8, s0;
	s9 =	sadd.s32 $0xFA0, s9  }
0x51: {  	[tilespmem:s9], [sflag:$0x2] =	stream.linear.gather [hbm4b:s0+s5], $0x7D0, $0x38;
	[tilespmem:$0x15F90] =	vst v63  }
.LBB2_12:
0x52: {  	s0 =	sadd.s32 $0x5, s19  }
0x53: {  	s9 =	sand.u32 $0xFF, s0  }
0x54: {  	s10 =	smul.u32 $0x29, s9;
	_ =	sdelay $0x1  }
0x55: {  	s9 =	smul.u32 $0xAB, s9;
	s10 =	sshrl.u32 s10, $0xA  }
0x56: {  	s11 =	smul.u32 $0x19, s10;
	_ =	sdelay $0x1  }
0x57: {  	s9 =	sshrl.u32 s9, $0xA;
	s11 =	ssub.s32 s0, s11  }
0x58: {  	s9 =	smul.u32 $0x6, s9;
	s11 =	sand.u32 $0xFF, s11  }
0x59: {  	p1 =	sne.s32 s11, $0x0  }
0x5a: {  	s0 =	ssub.s32 s0, s9;
	s23 =	simm.s32 @!p1 $0x2  }
0x5b: {  	s10 =	sand.u32 $0x1, s10;
	s0 =	sand.u32 $0xFF, s0;
	_ =	swait.ge @!p1 [sflag:s23], $0x7D0  }
0x5c: {  	p2 =	seq.s32 s10, $0x1;
	s0 =	smul.u32 $0x5000, s0;
	[sflag:s23] =	ssyncset.done @!p1 $0x0  }
0x5d: {  	s9 =	simm.s32 $0x7D0;
	s11 =	smul.u32 $0x140, s11;
	[sflag:s23] =	ssyncadd.s32 @!p1 $0xFFFFF830  }
0x5e: {  	s9 =	simm.s32 @!p2 $0x0;
	_ =	swait.ge @!p1 [sflag:s23], $0x7D0  }
0x5f: {  	s0 =	sshrl.u32 s0, $0x2;
	s10 =	sshrl.u32 s11, $0x2;
	[sflag:s23] =	ssyncset.done @!p1 $0x0  }
0x60: {  	s0 =	sadd.s32 $0x1F40, s0;
	s9 =	sadd.s32 s10, s9;
	[sflag:s23] =	ssyncadd.s32 @!p1 $0xFFFFF830  }
0x61: {  	[tilespmem:s0], [sflag:$0x1] =	stream.indirect.gather [hbm4b:s6+s15], $0x40, s9, s15, $0xb8;
	[tilespmem:$0x15F90] =	vst v63  }
.LBB2_13:
0x62: {  	s0 =	smul.u32 $0xAB, s19;
	_ =	sdelay $0x1  }
0x63: {  	s0 =	sshrl.u32 s0, $0xA  }
0x64: {  	s0 =	sand.u32 $0x3F, s0  }
0x65: {  	s0 =	smul.u32 $0x6, s0;
	_ =	sdelay $0x1  }
0x66: {  	s9 =	sand.u32 $0xFF, s21;
	s10 =	smul.u32 $0x1F40, s30;
	s0 =	ssub.s32 s19, s0  }
0x67: {  	s9 =	smul.u32 $0x140, s9;
	s0 =	sand.u32 $0xFF, s0  }
0x68: {  	s0 =	smul.u32 $0x5000, s0  }
0x69: {  	s10 =	sshrl.u32 s10, $0x2;
	s9 =	sshrl.u32 s9, $0x2  }
0x6a: {  	s9 =	sadd.s32 s9, s10;
	s0 =	sshrl.u32 s0, $0x2  }
0x6b: {  	s9 =	sadd.s32 $0xFA0, s9;
	s0 =	sadd.s32 $0x1F40, s0  }
0x6c: {  	[spmem:s2] =	stream.indirect.scatter.add.bf16 [tilespmem:s0], [sflag:$0x3], $0x40, s9, s15, $0xb8;
	[tilespmem:$0x15F90] =	vst v63  }
0x6d: {  	_ =	swait.ge [sflag:s29], $0x1400  }
0x6e: {  	p1 =	sne.s32 s19, $0xF9;
	[sflag:s29] =	ssyncset.done $0x0  }
.Ltmp4:
0x6f: {  	[sflag:s29] =	ssyncadd.s32 $0xFFFFEC00;
	(pc) =	sbr.rel @!p1 .LBB2_14-.Ltmp4, $4  }
0x70: {  	[spmem:s4] =	stream.indirect.scatter.add.f32 [tilespmem:s28], [sflag:$0x3], $0x10, s9, s15, $0xb8;
	[tilespmem:$0x15F90] =	vst v63  }
0x71: {  	_ =	swait.ge [sflag:s29], $0x500  }
0x72: {  	[sflag:s29] =	ssyncset.done $0x0  }
0x73: {  	[sflag:s29] =	ssyncadd.s32 $0xFFFFFB00  }
.LBB2_9:
0x74: {  	s9 =	smov.u32 s19;
	s19 =	sadd.s32 $0x1, s19  }
0x75: {  	s0 =	smul.u32 $0x29, s19;
	_ =	sdelay $0x1  }
0x76: {  	s10 =	sshrl.u32 s0, $0xA  }
0x77: {  	s0 =	sand.u32 $0x3F, s10  }
0x78: {  	s11 =	smul.u32 $0x19, s0;
	_ =	sdelay $0x1  }
0x79: {  	p1 =	sgt.u32 s9, $0xDF;
	s21 =	ssub.s32 s19, s11  }
0x7a: {  	s9 =	sand.u32 @!p1 $0xFF, s21  }
0x7b: {  	p2 =	sne.s32 @!p1 s9, $0x0  }
0x7c: {  	p1 =	por p1, p2  }
.Ltmp5:
0x7d: {  	_ = 	snop;
	(pc) =	sbr.rel @!p1 .LBB2_10-.Ltmp5, $4  }
0x7e: {  	_ = 	snop  }
0x7f: {  	_ =	swait.ge [sflag:s3], $0x1400  }
0x80: {  	[sflag:s3] =	ssyncset.done $0x0  }
0x81: {  	[sflag:s3] =	ssyncadd.s32 $0xFFFFEC00;
	s30 =	sand.u32 $0x1, s10  }
0x82: {  	p1 =	sgt.u32 s19, $0xF4  }
.Ltmp6:
0x83: {  	_ = 	snop;
	(pc) =	sbr.rel @p1 .LBB2_13-.Ltmp6, $4  }
.Ltmp7:
0x84: {  	_ = 	snop;
	(pc) =	sbr.rel @!p1 .LBB2_12-.Ltmp7, $4  }
0x85: {  	_ = 	snop  }
0x86: {  	_ = 	snop  }
0x87: {  	_ = 	snop  }
0x88: {  	_ = 	snop  }
.LBB2_2:
0x89: {  	s0 =	rddreg [dreg:$0x9]  }
0x8a: {  	[tilespmem:s5], [sflag:$0x2] =	stream.linear.gather [hbm4b:s0+s5], $0x7D0, $0x38;
	[tilespmem:$0x15F90] =	vst v63  }
0x8b: {  	s10 =	rddreg [dreg:$0xa];
	s9 =	simm.s32 $0xFA0  }
0x8c: {  	[tilespmem:s9], [sflag:$0x2] =	stream.linear.gather [hbm4b:s10+s5], $0x7D0, $0x38;
	[tilespmem:$0x15F90] =	vst v63  }
0x8d: {  	_ =	swait.ge [sflag:s31], $0x7D0  }
0x8e: {  	[sflag:s31] =	ssyncset.done $0x0  }
0x8f: {  	[sflag:s31] =	ssyncadd.s32 $0xFFFFF830  }
0x90: {  	_ =	swait.ge [sflag:s31], $0x7D0  }
0x91: {  	[sflag:s31] =	ssyncset.done $0x0  }
0x92: {  	s19 =	simm.s32 $0x7D0;
	s11 =	rddreg [dreg:$0xb];
	[sflag:s31] =	ssyncadd.s32 $0xFFFFF830  }
0x93: {  	[tilespmem:s19], [sflag:$0x2] =	stream.linear.gather [hbm4b:s11+s5], $0x7D0, $0x38;
	[tilespmem:$0x15F90] =	vst v63  }
0x94: {  	s23 =	simm.s32 $0x1770;
	s21 =	rddreg [dreg:$0xc]  }
0x95: {  	[tilespmem:s23], [sflag:$0x2] =	stream.linear.gather [hbm4b:s21+s5], $0x7D0, $0x38;
	[tilespmem:$0x15F90] =	vst v63  }
0x96: {  	s30 =	simm.s32 $0x1F40  }
0x97: {  	[tilespmem:s30], [sflag:$0x1] =	stream.indirect.gather [hbm4b:s1+s15], $0x40, s5, s15, $0xb8;
	[tilespmem:$0x15F90] =	vst v63  }
0x98: {  	s9 =	simm.s32 $0x3340  }
0x99: {  	[tilespmem:s9], [sflag:$0x1] =	stream.indirect.gather [hbm4b:s1+s15], $0x40, s15, s15, $0xb8;
	[tilespmem:$0x15F90] =	vst v63  }
0x9a: {  	s10 =	simm.s32 $0xA0;
	s11 =	simm.s32 $0x4740  }
0x9b: {  	[tilespmem:s11], [sflag:$0x1] =	stream.indirect.gather [hbm4b:s1+s15], $0x40, s10, s15, $0xb8;
	[tilespmem:$0x15F90] =	vst v63  }
.Ltmp8:
0x9c: {  	_ = 	snop;
	(pc) =	sbr.rel .LBB2_3-.Ltmp8, $4  }
0x9d: {  	s19 =	simm.s32 $0xF0;
	s21 =	simm.s32 $0x5B40  }
0x9e: {  	[tilespmem:s21], [sflag:$0x1] =	stream.indirect.gather [hbm4b:s1+s15], $0x40, s19, s15, $0xb8;
	[tilespmem:$0x15F90] =	vst v63  }
0x9f: {  	s23 =	simm.s32 $0x140;
	s30 =	simm.s32 $0x6F40;
	s19 =	simm.s32 $0xFFFFFFFF  }
0xa0: {  	[tilespmem:s30], [sflag:$0x1] =	stream.indirect.gather [hbm4b:s1+s15], $0x40, s23, s15, $0xb8;
	[tilespmem:$0x15F90] =	vst v63  }
.LBB2_4:
0xa1: {  	s0 =	smul.u32 $0x7D0, s0;
	_ =	sdelay $0x1  }
0xa2: {  	s23 =	sxor.u32 $0x1, s30;
	s0 =	sadd.s32 s0, s14  }
0xa3: {  	s23 =	smul.u32 $0x7D0, s23;
	s0 =	sshrl.u32 s0, $0x3  }
0xa4: {  	s9 =	sadd.s32 s7, s0  }
0xa5: {  	[tilespmem:s23], [sflag:$0x2] =	stream.linear.gather [hbm4b:s9+s5], $0x7D0, $0x38;
	[tilespmem:$0x15F90] =	vst v63  }
0xa6: {  	s0 =	sadd.s32 s8, s0;
	s23 =	sadd.s32 $0xFA0, s23  }
0xa7: {  	[tilespmem:s23], [sflag:$0x2] =	stream.linear.gather [hbm4b:s0+s5], $0x7D0, $0x38;
	[tilespmem:$0x15F90] =	vst v63  }
.LBB2_6:
0xa8: {  	s0 =	sadd.s32 $0x5, s19  }
0xa9: {  	s9 =	sand.u32 $0xFF, s0  }
0xaa: {  	s23 =	smul.u32 $0x29, s9;
	_ =	sdelay $0x1  }
0xab: {  	s9 =	smul.u32 $0xAB, s9;
	s23 =	sshrl.u32 s23, $0xA  }
0xac: {  	s10 =	smul.u32 $0x19, s23;
	_ =	sdelay $0x1  }
0xad: {  	s9 =	sshrl.u32 s9, $0xA;
	s10 =	ssub.s32 s0, s10  }
0xae: {  	s9 =	smul.u32 $0x6, s9;
	s10 =	sand.u32 $0xFF, s10  }
0xaf: {  	p1 =	sne.s32 s10, $0x0  }
0xb0: {  	s0 =	ssub.s32 s0, s9;
	s11 =	simm.s32 @!p1 $0x2  }
0xb1: {  	s23 =	sand.u32 $0x1, s23;
	s0 =	sand.u32 $0xFF, s0;
	_ =	swait.ge @!p1 [sflag:s11], $0x7D0  }
0xb2: {  	p2 =	seq.s32 s23, $0x1;
	s0 =	smul.u32 $0x5000, s0;
	[sflag:s11] =	ssyncset.done @!p1 $0x0  }
0xb3: {  	s9 =	simm.s32 $0x7D0;
	s10 =	smul.u32 $0x140, s10;
	[sflag:s11] =	ssyncadd.s32 @!p1 $0xFFFFF830  }
0xb4: {  	s9 =	simm.s32 @!p2 $0x0;
	_ =	swait.ge @!p1 [sflag:s11], $0x7D0  }
0xb5: {  	s0 =	sshrl.u32 s0, $0x2;
	s10 =	sshrl.u32 s10, $0x2;
	[sflag:s11] =	ssyncset.done @!p1 $0x0  }
0xb6: {  	s0 =	sadd.s32 $0x1F40, s0;
	s9 =	sadd.s32 s10, s9;
	[sflag:s11] =	ssyncadd.s32 @!p1 $0xFFFFF830  }
0xb7: {  	[tilespmem:s0], [sflag:$0x1] =	stream.indirect.gather [hbm4b:s1+s15], $0x40, s9, s15, $0xb8;
	[tilespmem:$0x15F90] =	vst v63  }
.LBB2_7:
0xb8: {  	s0 =	smul.u32 $0xAB, s19;
	_ =	sdelay $0x1  }
0xb9: {  	s0 =	sshrl.u32 s0, $0xA  }
0xba: {  	s0 =	sand.u32 $0x3F, s0  }
0xbb: {  	s0 =	smul.u32 $0x6, s0;
	_ =	sdelay $0x1  }
0xbc: {  	s9 =	sand.u32 $0xFF, s21;
	s10 =	smul.u32 $0x1F40, s30;
	s0 =	ssub.s32 s19, s0  }
0xbd: {  	s9 =	smul.u32 $0x140, s9;
	s0 =	sand.u32 $0xFF, s0  }
0xbe: {  	s0 =	smul.u32 $0x5000, s0  }
0xbf: {  	s10 =	sshrl.u32 s10, $0x2;
	s9 =	sshrl.u32 s9, $0x2  }
0xc0: {  	s9 =	sadd.s32 s9, s10;
	s0 =	sshrl.u32 s0, $0x2  }
0xc1: {  	s9 =	sadd.s32 $0xFA0, s9;
	s0 =	sadd.s32 $0x1F40, s0  }
0xc2: {  	[spmem:s2] =	stream.indirect.scatter.add.bf16 [tilespmem:s0], [sflag:$0x3], $0x40, s9, s15, $0xb8;
	[tilespmem:$0x15F90] =	vst v63  }
0xc3: {  	_ =	swait.ge [sflag:s29], $0x1400  }
0xc4: {  	p1 =	seq.s32 s19, $0xF9;
	[sflag:s29] =	ssyncset.done $0x0  }
.Ltmp9:
0xc5: {  	[sflag:s29] =	ssyncadd.s32 $0xFFFFEC00;
	(pc) =	sbr.rel @p1 .LBB2_14-.Ltmp9, $4  }
0xc6: {  	[spmem:s4] =	stream.indirect.scatter.add.f32 [tilespmem:s28], [sflag:$0x3], $0x10, s9, s15, $0xb8;
	[tilespmem:$0x15F90] =	vst v63  }
0xc7: {  	_ =	swait.ge [sflag:s29], $0x500  }
0xc8: {  	[sflag:s29] =	ssyncset.done $0x0  }
0xc9: {  	[sflag:s29] =	ssyncadd.s32 $0xFFFFFB00  }
.LBB2_3:
0xca: {  	s30 =	smov.u32 s19;
	s19 =	sadd.s32 $0x1, s19  }
0xcb: {  	s0 =	smul.u32 $0x29, s19;
	_ =	sdelay $0x1  }
0xcc: {  	s23 =	sshrl.u32 s0, $0xA  }
0xcd: {  	s0 =	sand.u32 $0x3F, s23  }
0xce: {  	s21 =	smul.u32 $0x19, s0;
	_ =	sdelay $0x1  }
0xcf: {  	p1 =	sgt.u32 s30, $0xDF;
	s21 =	ssub.s32 s19, s21  }
0xd0: {  	s30 =	sand.u32 @!p1 $0xFF, s21  }
0xd1: {  	p2 =	sne.s32 @!p1 s30, $0x0  }
0xd2: {  	p1 =	por p1, p2  }
.Ltmp10:
0xd3: {  	_ = 	snop;
	(pc) =	sbr.rel @!p1 .LBB2_4-.Ltmp10, $4  }
0xd4: {  	_ = 	snop  }
0xd5: {  	_ =	swait.ge [sflag:s3], $0x1400  }
0xd6: {  	[sflag:s3] =	ssyncset.done $0x0  }
0xd7: {  	[sflag:s3] =	ssyncadd.s32 $0xFFFFEC00;
	s30 =	sand.u32 $0x1, s23  }
0xd8: {  	p1 =	sgt.u32 s19, $0xF4  }
.Ltmp11:
0xd9: {  	_ = 	snop;
	(pc) =	sbr.rel @p1 .LBB2_7-.Ltmp11, $4  }
.Ltmp12:
0xda: {  	_ = 	snop;
	(pc) =	sbr.rel @!p1 .LBB2_6-.Ltmp12, $4  }
0xdb: {  	_ = 	snop  }
0xdc: {  	_ = 	snop  }
0xdd: {  	_ = 	snop  }
0xde: {  	_ = 	snop  }
.LBB2_15:
0xdf: {  	_ =	sfence.sel $0x180000  }
0xe0: {  	[bflag:$0x0] =	sbarrier.arrive $0xFFFF  }
0xe1: {  	_ =	strace $0x90000047  }
0xe2: {  	s0 =	stileid.u32;
	[bflag:$0x2] =	sbarrier.arrive $0xFFFF  }
0xe3: {  	p0 =	sne.s32 s0, $0x0;
	s0 =	rddreg [dreg:$0x5]  }
0xe4: {  	s0 =	sadd.s32 @!p0 $0x100000, s0  }
0xe5: {  	[sflag:s0] =	ssyncadd.tile.s32 @!p0 $0x1;
	_ =	shalt  }
.Lfunc_end2:
_tile_overlayer_lowered:
.L_overlay_start_2:
0xe6: {  	(tag) =	ssettag $0x2  }
0xe7: {  	s0 =	rddreg [dreg:$0x0];
	s2 =	stileid.u32  }
0xe8: {  	s1 =	rddreg [dreg:$0x1];
	p0 =	sne.s32 s2, $0x0  }
0xe9: {  	s3 =	rddreg [dreg:$0x2];
	[bflag:$0x3] =	sbarrier.arrive $0xFFFF;
	s2 =	simm.s32 @!p0 $0x1C03  }
0xea: {  	[timem:s3], [sflag:s2] =	dma.local @!p0 [hbm:s0], s1  }
0xeb: {  	s0 =	simm.s32 @!p0 $0x3  }
0xec: {  	_ =	swait.ge @!p0 [sflag:s0], s1  }
0xed: {  	s1 =	ssub.s32 @!p0 $0x0, s1;
	[sflag:s0] =	ssyncset.done @!p0 $0x0  }
0xee: {  	[sflag:s0] =	ssyncadd.s32 @!p0 s1  }
0xef: {  	[bflag:$0x3] =	sbarrier.arrive $0xFFFF  }
0xf0: {  	_ =	shalt  }

</sc_bundles>
